<compile_context>
chip_gen: v7x
topology: tpu7x:2x2x1
jax: 0.10.2.dev20260603
libtpu: 0.0.44.dev20260713+nightly
codegen_flags: <defaults>
</compile_context>

<pallas_src>
import jax
import jax.numpy as jnp
from jax.experimental import pallas as pl
from jax.experimental.pallas import tpu as pltpu

_NUM_CLASSES = 80
_W_IN = 1280.0
_H_IN = 1280.0
_W_OUT = 40.0
_H_OUT = 40.0
_CELL = 32.0
_IOU_THRESH = 0.6
_OBJECT_SCALE = 5.0
_COORD_SCALE = 1.0
_CLASS_SCALE = 1.0
_ANCHOR_W = (1.3221, 3.19275, 5.05587, 9.47112, 11.2364)
_ANCHOR_H = (1.73145, 4.00944, 8.09892, 4.84053, 10.0071)


def _sel5(idx, vals):
    return jnp.where(idx == 0, vals[0],
           jnp.where(idx == 1, vals[1],
           jnp.where(idx == 2, vals[2],
           jnp.where(idx == 3, vals[3], vals[4]))))


def _yolo_kernel(bboxT_ref, ioup_ref, gt_ref, nb_ref,
                 boxes_ref, ious_ref, classes_ref,
                 bmask_ref, imask_ref, cmask_ref):
    f32 = jnp.float32
    E = bboxT_ref.shape[2]
    K = gt_ref.shape[1]

    g = gt_ref[...][0]
    gx1 = g[:, 0:1]
    gy1 = g[:, 1:2]
    gx2 = g[:, 2:3]
    gy2 = g[:, 3:4]
    clsf = g[:, 4:5]
    area_g = (gx2 - gx1 + 1.0) * (gy2 - gy1 + 1.0)
    gx21 = gx2 + 1.0
    gy21 = gy2 + 1.0

    cxk = (gx1 + gx2) * 0.5 / _CELL
    cyk = (gy1 + gy2) * 0.5 / _CELL
    fcx = jnp.floor(cxk)
    fcy = jnp.floor(cyk)
    raw_ci = fcy * _W_OUT + fcx
    kcol = jax.lax.broadcasted_iota(jnp.int32, (K, 1), 0)
    kcolf = kcol.astype(f32)
    nb = nb_ref[...].reshape(1, 1)
    valid = (kcol < nb) & (raw_ci >= 0.0) & (raw_ci < _W_OUT * _H_OUT)

    ia_row = jax.lax.broadcasted_iota(jnp.int32, (1, 5), 1)
    aw_row = _sel5(ia_row, _ANCHOR_W).astype(f32)
    ah_row = _sel5(ia_row, _ANCHOR_H).astype(f32)
    gwr = (gx2 - gx1) / _CELL + 1.0
    ghr = (gy2 - gy1) / _CELL + 1.0
    inter_a = jnp.minimum(aw_row, gwr) * jnp.minimum(ah_row, ghr)
    aiou = inter_a / (aw_row * ah_row + gwr * ghr - inter_a)
    amax = jnp.max(aiou, axis=1, keepdims=True)
    ia_mat = jax.lax.broadcasted_iota(jnp.int32, (K, 5), 1)
    a_k = jnp.min(jnp.where(aiou == amax, ia_mat, 5), axis=1, keepdims=True)
    onehot_a = (ia_mat == a_k).astype(f32)
    aw_k = jnp.sum(onehot_a * aw_row, axis=1, keepdims=True)
    ah_k = jnp.sum(onehot_a * ah_row, axis=1, keepdims=True)

    kkey = jnp.where(valid, raw_ci * 5.0 + a_k.astype(f32), -1.0)

    tb0 = cxk - fcx
    tb1 = cyk - fcy
    tb2 = ((gx2 - gx1 + 1.0) / _CELL) / aw_k
    tb3 = ((gy2 - gy1 + 1.0) / _CELL) / ah_k
    ones_c = jnp.ones((K, 1), f32)
    tbN = jnp.concatenate([tb0, tb1, tb2, tb3, ones_c], axis=1)

    clsi = jnp.clip(clsf, 0.0, float(_NUM_CLASSES - 1))
    iota_c = jax.lax.broadcasted_iota(jnp.int32, (K, _NUM_CLASSES), 1)
    onehot_c = (iota_c.astype(f32) == jnp.floor(clsi)).astype(f32)

    ef = jax.lax.broadcasted_iota(jnp.int32, (1, E), 1).astype(f32)
    cellf = jnp.floor(ef / 5.0)
    a_ef = ef - 5.0 * cellf
    rowf = jnp.floor(cellf / _W_OUT)
    colf = cellf - _W_OUT * rowf

    bbT = bboxT_ref[...][0]
    bx = bbT[0:1, :]
    by = bbT[1:2, :]
    bw = bbT[2:3, :]
    bh = bbT[3:4, :]
    aw_e = _sel5(a_ef, _ANCHOR_W)
    ah_e = _sel5(a_ef, _ANCHOR_H)
    cx_e = (bx + colf) / _W_OUT
    cy_e = (by + rowf) / _H_OUT
    bwh = bw * aw_e * 0.5 / _W_OUT
    bhh = bh * ah_e * 0.5 / _H_OUT
    x1 = (cx_e - bwh) * _W_IN
    y1 = (cy_e - bhh) * _H_IN
    x2 = (cx_e + bwh) * _W_IN
    y2 = (cy_e + bhh) * _H_IN
    x21 = x2 + 1.0
    y21 = y2 + 1.0
    area_e = (x2 - x1 + 1.0) * (y2 - y1 + 1.0)

    iw = jnp.maximum(jnp.minimum(x21, gx21) - jnp.maximum(x1, gx1), 0.0)
    ih = jnp.maximum(jnp.minimum(y21, gy21) - jnp.maximum(y1, gy1), 0.0)
    inter = iw * ih
    iou = inter / (area_e + area_g - inter)
    best = jnp.max(iou, axis=0, keepdims=True)

    match = kkey == ef
    matchf = match.astype(f32)
    lastv = jnp.max(jnp.where(match, kcolf, -1.0), axis=0, keepdims=True)
    mlastf = matchf * (kcolf == lastv).astype(f32)
    sel_iou = jnp.sum(mlastf * iou, axis=0, keepdims=True)
    has = lastv >= 0.0

    matchT = jnp.transpose(matchf)
    mlastT = jnp.transpose(mlastf)
    classes = jnp.minimum(
        jnp.dot(matchT, onehot_c, preferred_element_type=f32), 1.0)
    selb = jnp.dot(mlastT, tbN, preferred_element_type=f32)
    msum = selb[:, 4:5]
    dc = jax.lax.broadcasted_iota(jnp.int32, (1, 4), 1)
    defrow = jnp.where(dc < 2, 0.5, 1.0).astype(f32)
    boxes = selb[:, 0:4] + (1.0 - msum) * defrow

    ip = ioup_ref[...][0]
    imask = jnp.where(has, _OBJECT_SCALE * (1.0 - ip),
                      jnp.where(best < _IOU_THRESH, -ip, 0.0))

    boxes_ref[...] = boxes[None]
    ious_ref[...] = sel_iou[None]
    classes_ref[...] = classes[None]
    bmask_ref[...] = jnp.where(has, _COORD_SCALE, 0.01)[None]
    imask_ref[...] = imask[None]
    cmask_ref[...] = jnp.where(has, _CLASS_SCALE, 0.0)[None]


def kernel(bbox_pred, iou_pred, gt_boxes, num_boxes, size_index):
    B, hw, A, _ = bbox_pred.shape
    K = gt_boxes.shape[1]
    E = hw * A

    bboxT = jnp.transpose(bbox_pred.reshape(B, E, 4), (0, 2, 1))
    ioupR = iou_pred.reshape(B, 1, E)
    nb = jnp.asarray(num_boxes).astype(jnp.int32).reshape(B, 1, 1)

    out_shapes = [
        jax.ShapeDtypeStruct((B, E, 4), jnp.float32),
        jax.ShapeDtypeStruct((B, 1, E), jnp.float32),
        jax.ShapeDtypeStruct((B, E, _NUM_CLASSES), jnp.float32),
        jax.ShapeDtypeStruct((B, 1, E), jnp.float32),
        jax.ShapeDtypeStruct((B, 1, E), jnp.float32),
        jax.ShapeDtypeStruct((B, 1, E), jnp.float32),
    ]

    def bmap(b):
        return (b, 0, 0)

    outs = pl.pallas_call(
        _yolo_kernel,
        grid=(B,),
        in_specs=[
            pl.BlockSpec((1, 4, E), bmap),
            pl.BlockSpec((1, 1, E), bmap),
            pl.BlockSpec((1, K, 5), bmap),
            pl.BlockSpec((1, 1, 1), bmap),
        ],
        out_specs=[
            pl.BlockSpec((1, E, 4), bmap),
            pl.BlockSpec((1, 1, E), bmap),
            pl.BlockSpec((1, E, _NUM_CLASSES), bmap),
            pl.BlockSpec((1, 1, E), bmap),
            pl.BlockSpec((1, 1, E), bmap),
            pl.BlockSpec((1, 1, E), bmap),
        ],
        out_shape=out_shapes,
        compiler_params=pltpu.CompilerParams(
            dimension_semantics=("parallel",)),
    )(bboxT, ioupR, gt_boxes, nb)

    _boxes, _ious, _classes, _bm, _im, _cm = outs
    return (_boxes.reshape(B, hw, A, 4),
            _ious.reshape(B, hw, A, 1),
            _classes.reshape(B, hw, A, _NUM_CLASSES),
            _bm.reshape(B, hw, A, 1),
            _im.reshape(B, hw, A, 1),
            _cm.reshape(B, hw, A, 1))

# --- scband reference (transcript-rebuilt; emitter-appended) ---
"""Pipeline reference for scband-yolotarget-layer-86878598463653 (READ-ONLY COPY).

The authoritative reference and input builder live on the scoring server;
editing this copy changes nothing except your own understanding.
"""

import jax, jax.numpy as jnp
import numpy as np

NUM_CLASSES = 80
INPUT_SIZE = (1280, 1280)
OUTPUT_SIZE = (40, 40)
FEAT_STRIDE = 32.0
ANCHORS = np.array([[1.3221, 1.73145], [3.19275, 4.00944], [5.05587, 8.09892], [9.47112, 4.84053], [11.2364, 10.0071]], dtype=np.float32)
IOU_THRESH = 0.6
NOOBJECT_SCALE = 1.0
OBJECT_SCALE = 5.0
COORD_SCALE = 1.0
CLASS_SCALE = 1.0


def yolo_to_bbox(bbox_pred, anchors, H, W):
    hw = H * W
    inds = jnp.arange(hw)
    rows = (inds // W).astype(jnp.float32)
    cols = (inds % W).astype(jnp.float32)
    cx = (bbox_pred[..., 0] + cols[None, :, None]) / W
    cy = (bbox_pred[..., 1] + rows[None, :, None]) / H
    bw = bbox_pred[..., 2] * anchors[None, None, :, 0] * 0.5 / W
    bh = bbox_pred[..., 3] * anchors[None, None, :, 1] * 0.5 / H
    return jnp.stack([cx - bw, cy - bh, cx + bw, cy + bh], axis=-1)


def bbox_overlaps_batch(boxes, gt_boxes):
    # boxes: (B, N, 4), gt_boxes: (B, K, 5) -> (B, N, K)
    iw = jnp.minimum(boxes[:, :, None, 2], gt_boxes[:, None, :, 2]) - jnp.maximum(boxes[:, :, None, 0], gt_boxes[:, None, :, 0]) + 1.0
    ih = jnp.minimum(boxes[:, :, None, 3], gt_boxes[:, None, :, 3]) - jnp.maximum(boxes[:, :, None, 1], gt_boxes[:, None, :, 1]) + 1.0
    iw = jnp.maximum(iw, 0.0)
    ih = jnp.maximum(ih, 0.0)
    inter = iw * ih
    area_b = (boxes[:, :, 2] - boxes[:, :, 0] + 1.0) * (boxes[:, :, 3] - boxes[:, :, 1] + 1.0)
    area_g = (gt_boxes[:, :, 2] - gt_boxes[:, :, 0] + 1.0) * (gt_boxes[:, :, 3] - gt_boxes[:, :, 1] + 1.0)
    ua = area_b[:, :, None] + area_g[:, None, :] - inter
    return inter / ua


def anchor_intersections(anchors, gt_boxes):
    # anchors: (A, 2), gt_boxes: (B, K, 4) -> (B, A, K)
    gw = gt_boxes[:, :, 2] - gt_boxes[:, :, 0] + 1.0
    gh = gt_boxes[:, :, 3] - gt_boxes[:, :, 1] + 1.0
    aw = anchors[:, 0]
    ah = anchors[:, 1]
    iw = jnp.minimum(aw[None, :, None], gw[:, None, :])
    ih = jnp.minimum(ah[None, :, None], gh[:, None, :])
    inter = iw * ih
    return inter / (aw[None, :, None] * ah[None, :, None] + gw[:, None, :] * gh[:, None, :] - inter)


def _forward(bbox_pred, iou_pred, gt_boxes, num_boxes, size_index):
    anchors = jnp.asarray(ANCHORS)
    Win, Hin = INPUT_SIZE
    Wout, Hout = OUTPUT_SIZE
    B, hw, A = bbox_pred.shape[0], bbox_pred.shape[1], bbox_pred.shape[2]
    K = gt_boxes.shape[1]
    assert hw == Wout * Hout
    _classes = jnp.zeros((B, hw, A, NUM_CLASSES), jnp.float32)
    _class_mask = jnp.zeros((B, hw, A, 1), jnp.float32)
    _ious = jnp.zeros((B, hw, A, 1), jnp.float32)
    _boxes = jnp.concatenate([jnp.full((B, hw, A, 2), 0.5, jnp.float32), jnp.full((B, hw, A, 2), 1.0, jnp.float32)], axis=-1)
    _box_mask = jnp.full((B, hw, A, 1), 0.01, jnp.float32)
    real = yolo_to_bbox(bbox_pred, anchors, Hout, Wout)
    real = real * jnp.array([float(Win), float(Hin), float(Win), float(Hin)], jnp.float32)
    ious = bbox_overlaps_batch(real.reshape(B, -1, 4), gt_boxes)
    ious_reshaped = ious.reshape(B, hw, A, K)
    best_ious = jnp.max(ious, axis=2).reshape(B, hw, A, 1)
    _iou_mask = jnp.where(best_ious < IOU_THRESH, NOOBJECT_SCALE * (0.0 - iou_pred), 0.0)
    cell = float(FEAT_STRIDE)
    cx = (gt_boxes[:, :, 0] + gt_boxes[:, :, 2]) * 0.5 / cell
    cy = (gt_boxes[:, :, 1] + gt_boxes[:, :, 3]) * 0.5 / cell
    cell_inds = (jnp.floor(cy) * Wout + jnp.floor(cx)).astype(jnp.int32)
    tb0 = cx - jnp.floor(cx)
    tb1 = cy - jnp.floor(cy)
    tb2 = (gt_boxes[:, :, 2] - gt_boxes[:, :, 0] + 1.0) / cell
    tb3 = (gt_boxes[:, :, 3] - gt_boxes[:, :, 1] + 1.0) / cell
    target_boxes = jnp.stack([tb0, tb1, tb2, tb3], axis=-1)
    gt_resize = gt_boxes[:, :, :4] / cell
    anchor_ious = anchor_intersections(anchors, gt_resize)
    anchor_inds = jnp.argmax(anchor_ious, axis=1)
    b_idx = jnp.arange(B)
    nb = jnp.asarray(num_boxes)
    cls_all = gt_boxes[:, :, 4].astype(jnp.int32)
    for i in range(K):
        raw_ci = cell_inds[:, i]
        valid = (i < nb) & (raw_ci >= 0) & (raw_ci < hw)
        ci = jnp.clip(raw_ci, 0, hw - 1)
        a = anchor_inds[:, i]
        new_im = OBJECT_SCALE * (1.0 - iou_pred[b_idx, ci, a, 0])
        _iou_mask = _iou_mask.at[b_idx, ci, a, 0].set(jnp.where(valid, new_im, _iou_mask[b_idx, ci, a, 0]))
        new_iou = ious_reshaped[b_idx, ci, a, i]
        _ious = _ious.at[b_idx, ci, a, 0].set(jnp.where(valid, new_iou, _ious[b_idx, ci, a, 0]))
        _box_mask = _box_mask.at[b_idx, ci, a, 0].set(jnp.where(valid, COORD_SCALE, _box_mask[b_idx, ci, a, 0]))
        anch = anchors[a]
        tb = jnp.concatenate([target_boxes[:, i, :2], target_boxes[:, i, 2:4] / anch], axis=1)
        _boxes = _boxes.at[b_idx, ci, a, :].set(jnp.where(valid[:, None], tb, _boxes[b_idx, ci, a, :]))
        _class_mask = _class_mask.at[b_idx, ci, a, 0].set(jnp.where(valid, CLASS_SCALE, _class_mask[b_idx, ci, a, 0]))
        cls = jnp.clip(cls_all[:, i], 0, NUM_CLASSES - 1)
        _classes = _classes.at[b_idx, ci, a, cls].set(jnp.where(valid, 1.0, _classes[b_idx, ci, a, cls]))
    return (_boxes, _ious, _classes, _box_mask, _iou_mask, _class_mask)


def setup_inputs(seed: int = 0) -> dict:
    key = jax.random.key(seed)
    ks = jax.random.split(key, 8)
    B, hw, A, K = 16, 1600, 5, 50
    xy = jax.random.uniform(ks[0], (B, hw, A, 2), jnp.float32)
    wh = jax.random.uniform(ks[1], (B, hw, A, 2), jnp.float32, 0.5, 2.0)
    bbox_pred = jnp.concatenate([xy, wh], axis=-1)
    iou_pred = jax.random.uniform(ks[2], (B, hw, A, 1), jnp.float32)
    x1 = jax.random.uniform(ks[3], (B, K), jnp.float32, 0.0, 1100.0)
    y1 = jax.random.uniform(ks[4], (B, K), jnp.float32, 0.0, 1100.0)
    w = jax.random.uniform(ks[5], (B, K), jnp.float32, 32.0, 180.0)
    h = jax.random.uniform(ks[6], (B, K), jnp.float32, 32.0, 180.0)
    cls = jax.random.randint(ks[7], (B, K), 0, NUM_CLASSES).astype(jnp.float32)
    gt_boxes = jnp.stack([x1, y1, x1 + w, y1 + h, cls], axis=-1)
    num_boxes = jax.random.randint(jax.random.fold_in(key, 9), (B,), 1, K + 1)
    return {"bbox_pred": bbox_pred, "iou_pred": iou_pred, "gt_boxes": gt_boxes, "num_boxes": num_boxes, "size_index": 0}


def reference(bbox_pred, iou_pred, gt_boxes, num_boxes, size_index):
    return _forward(bbox_pred, iou_pred, gt_boxes, num_boxes, size_index)

if __name__ == "__main__":
    import jax
    _d = setup_inputs()
    print(jax.jit(kernel)(*tuple(_d.values())))

</pallas_src>

<mosaic_0001>
module attributes {stable_mosaic.version = 14 : i64} {
  func.func @_yolo_kernel(%arg0: i32, %arg1: memref<1x4x8000xf32, #tpu.memory_space<vmem>>, %arg2: memref<1x1x8000xf32, #tpu.memory_space<vmem>>, %arg3: memref<1x50x5xf32, #tpu.memory_space<vmem>>, %arg4: memref<1x1x1xi32, #tpu.memory_space<vmem>>, %arg5: memref<1x8000x4xf32, #tpu.memory_space<vmem>>, %arg6: memref<1x1x8000xf32, #tpu.memory_space<vmem>>, %arg7: memref<1x8000x80xf32, #tpu.memory_space<vmem>>, %arg8: memref<1x1x8000xf32, #tpu.memory_space<vmem>>, %arg9: memref<1x1x8000xf32, #tpu.memory_space<vmem>>, %arg10: memref<1x1x8000xf32, #tpu.memory_space<vmem>>) attributes {dimension_semantics = [#tpu.dimension_semantics<parallel>], iteration_bounds = array<i64: 16>, scalar_prefetch = 0 : i64, scratch_operands = 0 : i64, tpu.core_type = #tpu.core_type<tc>, window_params = [{transform_indices = @transform_0, window_bounds = array<i64: 1, 4, 8000>}, {transform_indices = @transform_1, window_bounds = array<i64: 1, 1, 8000>}, {transform_indices = @transform_2, window_bounds = array<i64: 1, 50, 5>}, {transform_indices = @transform_3, window_bounds = array<i64: 1, 1, 1>}, {transform_indices = @transform_4, window_bounds = array<i64: 1, 8000, 4>}, {transform_indices = @transform_5, window_bounds = array<i64: 1, 1, 8000>}, {transform_indices = @transform_6, window_bounds = array<i64: 1, 8000, 80>}, {transform_indices = @transform_7, window_bounds = array<i64: 1, 1, 8000>}, {transform_indices = @transform_8, window_bounds = array<i64: 1, 1, 8000>}, {transform_indices = @transform_9, window_bounds = array<i64: 1, 1, 8000>}]} {
    %get3A = arith.constant 0 : index
    %get3A_0 = arith.constant 0 : index
    %get3A_1 = arith.constant 0 : index
    %get3A_2 = vector.load %arg3[%get3A, %get3A_0, %get3A_1] : memref<1x50x5xf32, #tpu.memory_space<vmem>>, vector<1x50x5xf32>
    %squeeze3A = vector.shape_cast %get3A_2 : vector<1x50x5xf32> to vector<50x5xf32>
    %slice3A = vector.extract_strided_slice %squeeze3A {offsets = [0, 0], sizes = [50, 1], strides = [1, 1]} : vector<50x5xf32> to vector<50x1xf32>
    %slice3A_3 = vector.extract_strided_slice %squeeze3A {offsets = [0, 1], sizes = [50, 1], strides = [1, 1]} : vector<50x5xf32> to vector<50x1xf32>
    %slice3A_4 = vector.extract_strided_slice %squeeze3A {offsets = [0, 2], sizes = [50, 1], strides = [1, 1]} : vector<50x5xf32> to vector<50x1xf32>
    %slice3A_5 = vector.extract_strided_slice %squeeze3A {offsets = [0, 3], sizes = [50, 1], strides = [1, 1]} : vector<50x5xf32> to vector<50x1xf32>
    %slice3A_6 = vector.extract_strided_slice %squeeze3A {offsets = [0, 4], sizes = [50, 1], strides = [1, 1]} : vector<50x5xf32> to vector<50x1xf32>
    %sub3A = arith.subf %slice3A_4, %slice3A : vector<50x1xf32>
    %add3A = arith.constant 1.000000e+00 : f32
    %add3A_7 = vector.broadcast %add3A : f32 to vector<50x1xf32>
    %add3A_8 = arith.addf %sub3A, %add3A_7 : vector<50x1xf32>
    %sub3A_9 = arith.subf %slice3A_5, %slice3A_3 : vector<50x1xf32>
    %add3A_10 = arith.constant 1.000000e+00 : f32
    %add3A_11 = vector.broadcast %add3A_10 : f32 to vector<50x1xf32>
    %add3A_12 = arith.addf %sub3A_9, %add3A_11 : vector<50x1xf32>
    %mul3A = arith.mulf %add3A_8, %add3A_12 : vector<50x1xf32>
    %add3A_13 = arith.constant 1.000000e+00 : f32
    %add3A_14 = vector.broadcast %add3A_13 : f32 to vector<50x1xf32>
    %add3A_15 = arith.addf %slice3A_4, %add3A_14 : vector<50x1xf32>
    %add3A_16 = arith.constant 1.000000e+00 : f32
    %add3A_17 = vector.broadcast %add3A_16 : f32 to vector<50x1xf32>
    %add3A_18 = arith.addf %slice3A_5, %add3A_17 : vector<50x1xf32>
    %add3A_19 = arith.addf %slice3A, %slice3A_4 : vector<50x1xf32>
    %mul3A_20 = arith.constant 5.000000e-01 : f32
    %mul3A_21 = vector.broadcast %mul3A_20 : f32 to vector<50x1xf32>
    %mul3A_22 = arith.mulf %add3A_19, %mul3A_21 : vector<50x1xf32>
    %div3A = arith.constant 3.200000e+01 : f32
    %div3A_23 = vector.broadcast %div3A : f32 to vector<50x1xf32>
    %div3A_24 = arith.divf %mul3A_22, %div3A_23 : vector<50x1xf32>
    %add3A_25 = arith.addf %slice3A_3, %slice3A_5 : vector<50x1xf32>
    %mul3A_26 = arith.constant 5.000000e-01 : f32
    %mul3A_27 = vector.broadcast %mul3A_26 : f32 to vector<50x1xf32>
    %mul3A_28 = arith.mulf %add3A_25, %mul3A_27 : vector<50x1xf32>
    %div3A_29 = arith.constant 3.200000e+01 : f32
    %div3A_30 = vector.broadcast %div3A_29 : f32 to vector<50x1xf32>
    %div3A_31 = arith.divf %mul3A_28, %div3A_30 : vector<50x1xf32>
    %floor3A = math.floor %div3A_24 : vector<50x1xf32>
    %floor3A_32 = math.floor %div3A_31 : vector<50x1xf32>
    %mul3A_33 = arith.constant 4.000000e+01 : f32
    %mul3A_34 = vector.broadcast %mul3A_33 : f32 to vector<50x1xf32>
    %mul3A_35 = arith.mulf %floor3A_32, %mul3A_34 : vector<50x1xf32>
    %add3A_36 = arith.addf %mul3A_35, %floor3A : vector<50x1xf32>
    %iota3A = tpu.iota {dimensions = array<i32: 0>} : vector<50x1xi32>
    %convert_element_type3A = arith.sitofp %iota3A : vector<50x1xi32> to vector<50x1xf32>
    %get3A_37 = arith.constant 0 : index
    %get3A_38 = arith.constant 0 : index
    %get3A_39 = arith.constant 0 : index
    %get3A_40 = vector.load %arg4[%get3A_37, %get3A_38, %get3A_39] : memref<1x1x1xi32, #tpu.memory_space<vmem>>, vector<1x1x1xi32>
    %reshape3A = vector.shape_cast %get3A_40 : vector<1x1x1xi32> to vector<1x1xi32>
    %lt3A = vector.broadcast %reshape3A : vector<1x1xi32> to vector<50x1xi32>
    %lt3A_41 = arith.cmpi slt, %iota3A, %lt3A : vector<50x1xi32>
    %ge3A = arith.constant 0.000000e+00 : f32
    %ge3A_42 = vector.broadcast %ge3A : f32 to vector<50x1xf32>
    %ge3A_43 = arith.cmpf oge, %add3A_36, %ge3A_42 : vector<50x1xf32>
    %and3A = arith.andi %lt3A_41, %ge3A_43 : vector<50x1xi1>
    %lt3A_44 = arith.constant 1.600000e+03 : f32
    %lt3A_45 = vector.broadcast %lt3A_44 : f32 to vector<50x1xf32>
    %lt3A_46 = arith.cmpf olt, %add3A_36, %lt3A_45 : vector<50x1xf32>
    %and3A_47 = arith.andi %and3A, %lt3A_46 : vector<50x1xi1>
    %iota3A_48 = tpu.iota {dimensions = array<i32: 1>} : vector<1x5xi32>
    %eq3A = arith.constant 0 : i32
    %eq3A_49 = vector.broadcast %eq3A : i32 to vector<1x5xi32>
    %eq3A_50 = arith.cmpi eq, %iota3A_48, %eq3A_49 : vector<1x5xi32>
    %eq3A_51 = arith.constant 1 : i32
    %eq3A_52 = vector.broadcast %eq3A_51 : i32 to vector<1x5xi32>
    %eq3A_53 = arith.cmpi eq, %iota3A_48, %eq3A_52 : vector<1x5xi32>
    %eq3A_54 = arith.constant 2 : i32
    %eq3A_55 = vector.broadcast %eq3A_54 : i32 to vector<1x5xi32>
    %eq3A_56 = arith.cmpi eq, %iota3A_48, %eq3A_55 : vector<1x5xi32>
    %eq3A_57 = arith.constant 3 : i32
    %eq3A_58 = vector.broadcast %eq3A_57 : i32 to vector<1x5xi32>
    %eq3A_59 = arith.cmpi eq, %iota3A_48, %eq3A_58 : vector<1x5xi32>
    %jit3A = arith.constant 9.47111988 : f32
    %jit3A_60 = arith.constant 1.123640e+01 : f32
    %broadcast_in_dim3A = vector.broadcast %jit3A : f32 to vector<1x5xf32>
    %broadcast_in_dim3A_61 = vector.broadcast %jit3A_60 : f32 to vector<1x5xf32>
    %select_n3A = arith.select %eq3A_59, %broadcast_in_dim3A, %broadcast_in_dim3A_61 : vector<1x5xi1>, vector<1x5xf32>
    %jit3A_62 = arith.constant 5.055870e+00 : f32
    %broadcast_in_dim3A_63 = vector.broadcast %jit3A_62 : f32 to vector<1x5xf32>
    %select_n3A_64 = arith.select %eq3A_56, %broadcast_in_dim3A_63, %select_n3A : vector<1x5xi1>, vector<1x5xf32>
    %jit3A_65 = arith.constant 3.192750e+00 : f32
    %broadcast_in_dim3A_66 = vector.broadcast %jit3A_65 : f32 to vector<1x5xf32>
    %select_n3A_67 = arith.select %eq3A_53, %broadcast_in_dim3A_66, %select_n3A_64 : vector<1x5xi1>, vector<1x5xf32>
    %jit3A_68 = arith.constant 1.322100e+00 : f32
    %broadcast_in_dim3A_69 = vector.broadcast %jit3A_68 : f32 to vector<1x5xf32>
    %select_n3A_70 = arith.select %eq3A_50, %broadcast_in_dim3A_69, %select_n3A_67 : vector<1x5xi1>, vector<1x5xf32>
    %eq3A_71 = arith.constant 0 : i32
    %eq3A_72 = vector.broadcast %eq3A_71 : i32 to vector<1x5xi32>
    %eq3A_73 = arith.cmpi eq, %iota3A_48, %eq3A_72 : vector<1x5xi32>
    %eq3A_74 = arith.constant 1 : i32
    %eq3A_75 = vector.broadcast %eq3A_74 : i32 to vector<1x5xi32>
    %eq3A_76 = arith.cmpi eq, %iota3A_48, %eq3A_75 : vector<1x5xi32>
    %eq3A_77 = arith.constant 2 : i32
    %eq3A_78 = vector.broadcast %eq3A_77 : i32 to vector<1x5xi32>
    %eq3A_79 = arith.cmpi eq, %iota3A_48, %eq3A_78 : vector<1x5xi32>
    %eq3A_80 = arith.constant 3 : i32
    %eq3A_81 = vector.broadcast %eq3A_80 : i32 to vector<1x5xi32>
    %eq3A_82 = arith.cmpi eq, %iota3A_48, %eq3A_81 : vector<1x5xi32>
    %jit3A_83 = arith.constant 4.840530e+00 : f32
    %jit3A_84 = arith.constant 1.000710e+01 : f32
    %broadcast_in_dim3A_85 = vector.broadcast %jit3A_83 : f32 to vector<1x5xf32>
    %broadcast_in_dim3A_86 = vector.broadcast %jit3A_84 : f32 to vector<1x5xf32>
    %select_n3A_87 = arith.select %eq3A_82, %broadcast_in_dim3A_85, %broadcast_in_dim3A_86 : vector<1x5xi1>, vector<1x5xf32>
    %jit3A_88 = arith.constant 8.09891986 : f32
    %broadcast_in_dim3A_89 = vector.broadcast %jit3A_88 : f32 to vector<1x5xf32>
    %select_n3A_90 = arith.select %eq3A_79, %broadcast_in_dim3A_89, %select_n3A_87 : vector<1x5xi1>, vector<1x5xf32>
    %jit3A_91 = arith.constant 4.009440e+00 : f32
    %broadcast_in_dim3A_92 = vector.broadcast %jit3A_91 : f32 to vector<1x5xf32>
    %select_n3A_93 = arith.select %eq3A_76, %broadcast_in_dim3A_92, %select_n3A_90 : vector<1x5xi1>, vector<1x5xf32>
    %jit3A_94 = arith.constant 1.731450e+00 : f32
    %broadcast_in_dim3A_95 = vector.broadcast %jit3A_94 : f32 to vector<1x5xf32>
    %select_n3A_96 = arith.select %eq3A_73, %broadcast_in_dim3A_95, %select_n3A_93 : vector<1x5xi1>, vector<1x5xf32>
    %sub3A_97 = arith.subf %slice3A_4, %slice3A : vector<50x1xf32>
    %div3A_98 = arith.constant 3.200000e+01 : f32
    %div3A_99 = vector.broadcast %div3A_98 : f32 to vector<50x1xf32>
    %div3A_100 = arith.divf %sub3A_97, %div3A_99 : vector<50x1xf32>
    %add3A_101 = arith.constant 1.000000e+00 : f32
    %add3A_102 = vector.broadcast %add3A_101 : f32 to vector<50x1xf32>
    %add3A_103 = arith.addf %div3A_100, %add3A_102 : vector<50x1xf32>
    %sub3A_104 = arith.subf %slice3A_5, %slice3A_3 : vector<50x1xf32>
    %div3A_105 = arith.constant 3.200000e+01 : f32
    %div3A_106 = vector.broadcast %div3A_105 : f32 to vector<50x1xf32>
    %div3A_107 = arith.divf %sub3A_104, %div3A_106 : vector<50x1xf32>
    %add3A_108 = arith.constant 1.000000e+00 : f32
    %add3A_109 = vector.broadcast %add3A_108 : f32 to vector<50x1xf32>
    %add3A_110 = arith.addf %div3A_107, %add3A_109 : vector<50x1xf32>
    %min3A = vector.broadcast %select_n3A_70 : vector<1x5xf32> to vector<50x5xf32>
    %min3A_111 = vector.broadcast %add3A_103 : vector<50x1xf32> to vector<50x5xf32>
    %min3A_112 = arith.minimumf %min3A, %min3A_111 : vector<50x5xf32>
    %min3A_113 = vector.broadcast %select_n3A_96 : vector<1x5xf32> to vector<50x5xf32>
    %min3A_114 = vector.broadcast %add3A_110 : vector<50x1xf32> to vector<50x5xf32>
    %min3A_115 = arith.minimumf %min3A_113, %min3A_114 : vector<50x5xf32>
    %mul3A_116 = arith.mulf %min3A_112, %min3A_115 : vector<50x5xf32>
    %mul3A_117 = arith.mulf %select_n3A_70, %select_n3A_96 : vector<1x5xf32>
    %mul3A_118 = arith.mulf %add3A_103, %add3A_110 : vector<50x1xf32>
    %add3A_119 = vector.broadcast %mul3A_117 : vector<1x5xf32> to vector<50x5xf32>
    %add3A_120 = vector.broadcast %mul3A_118 : vector<50x1xf32> to vector<50x5xf32>
    %add3A_121 = arith.addf %add3A_119, %add3A_120 : vector<50x5xf32>
    %sub3A_122 = arith.subf %add3A_121, %mul3A_116 : vector<50x5xf32>
    %div3A_123 = arith.divf %mul3A_116, %sub3A_122 : vector<50x5xf32>
    %reduce_max3A = arith.constant dense<0xFF800000> : vector<50xf32>
    %reduce_max3A_124 = vector.multi_reduction <maximumf>, %div3A_123, %reduce_max3A [1] : vector<50x5xf32> to vector<50xf32>
    %broadcast_in_dim3A_125 = vector.shape_cast %reduce_max3A_124 : vector<50xf32> to vector<50x1xf32>
    %iota3A_126 = tpu.iota {dimensions = array<i32: 1>} : vector<50x5xi32>
    %eq3A_127 = vector.broadcast %broadcast_in_dim3A_125 : vector<50x1xf32> to vector<50x5xf32>
    %eq3A_128 = arith.cmpf oeq, %div3A_123, %eq3A_127 : vector<50x5xf32>
    %jit3A_129 = arith.constant 5 : i32
    %broadcast_in_dim3A_130 = vector.broadcast %jit3A_129 : i32 to vector<50x5xi32>
    %select_n3A_131 = arith.select %eq3A_128, %iota3A_126, %broadcast_in_dim3A_130 : vector<50x5xi1>, vector<50x5xi32>
    %reduce_min3A = arith.constant dense<2147483647> : vector<50xi32>
    %reduce_min3A_132 = vector.multi_reduction <minsi>, %select_n3A_131, %reduce_min3A [1] : vector<50x5xi32> to vector<50xi32>
    %broadcast_in_dim3A_133 = vector.shape_cast %reduce_min3A_132 : vector<50xi32> to vector<50x1xi32>
    %eq3A_134 = vector.broadcast %broadcast_in_dim3A_133 : vector<50x1xi32> to vector<50x5xi32>
    %eq3A_135 = arith.cmpi eq, %iota3A_126, %eq3A_134 : vector<50x5xi32>
    %convert_element_type3A_136 = arith.extui %eq3A_135 : vector<50x5xi1> to vector<50x5xi32>
    %convert_element_type3A_137 = arith.sitofp %convert_element_type3A_136 : vector<50x5xi32> to vector<50x5xf32>
    %mul3A_138 = vector.broadcast %select_n3A_70 : vector<1x5xf32> to vector<50x5xf32>
    %mul3A_139 = arith.mulf %convert_element_type3A_137, %mul3A_138 : vector<50x5xf32>
    %reduce_sum3A = arith.constant dense<0.000000e+00> : vector<50xf32>
    %reduce_sum3A_140 = vector.multi_reduction <add>, %mul3A_139, %reduce_sum3A [1] : vector<50x5xf32> to vector<50xf32>
    %broadcast_in_dim3A_141 = vector.shape_cast %reduce_sum3A_140 : vector<50xf32> to vector<50x1xf32>
    %mul3A_142 = vector.broadcast %select_n3A_96 : vector<1x5xf32> to vector<50x5xf32>
    %mul3A_143 = arith.mulf %convert_element_type3A_137, %mul3A_142 : vector<50x5xf32>
    %reduce_sum3A_144 = arith.constant dense<0.000000e+00> : vector<50xf32>
    %reduce_sum3A_145 = vector.multi_reduction <add>, %mul3A_143, %reduce_sum3A_144 [1] : vector<50x5xf32> to vector<50xf32>
    %broadcast_in_dim3A_146 = vector.shape_cast %reduce_sum3A_145 : vector<50xf32> to vector<50x1xf32>
    %mul3A_147 = arith.constant 5.000000e+00 : f32
    %mul3A_148 = vector.broadcast %mul3A_147 : f32 to vector<50x1xf32>
    %mul3A_149 = arith.mulf %add3A_36, %mul3A_148 : vector<50x1xf32>
    %convert_element_type3A_150 = arith.sitofp %broadcast_in_dim3A_133 : vector<50x1xi32> to vector<50x1xf32>
    %add3A_151 = arith.addf %mul3A_149, %convert_element_type3A_150 : vector<50x1xf32>
    %jit3A_152 = arith.constant -1.000000e+00 : f32
    %broadcast_in_dim3A_153 = vector.broadcast %jit3A_152 : f32 to vector<50x1xf32>
    %select_n3A_154 = arith.select %and3A_47, %add3A_151, %broadcast_in_dim3A_153 : vector<50x1xi1>, vector<50x1xf32>
    %sub3A_155 = arith.subf %div3A_24, %floor3A : vector<50x1xf32>
    %sub3A_156 = arith.subf %div3A_31, %floor3A_32 : vector<50x1xf32>
    %sub3A_157 = arith.subf %slice3A_4, %slice3A : vector<50x1xf32>
    %add3A_158 = arith.constant 1.000000e+00 : f32
    %add3A_159 = vector.broadcast %add3A_158 : f32 to vector<50x1xf32>
    %add3A_160 = arith.addf %sub3A_157, %add3A_159 : vector<50x1xf32>
    %div3A_161 = arith.constant 3.200000e+01 : f32
    %div3A_162 = vector.broadcast %div3A_161 : f32 to vector<50x1xf32>
    %div3A_163 = arith.divf %add3A_160, %div3A_162 : vector<50x1xf32>
    %div3A_164 = arith.divf %div3A_163, %broadcast_in_dim3A_141 : vector<50x1xf32>
    %sub3A_165 = arith.subf %slice3A_5, %slice3A_3 : vector<50x1xf32>
    %add3A_166 = arith.constant 1.000000e+00 : f32
    %add3A_167 = vector.broadcast %add3A_166 : f32 to vector<50x1xf32>
    %add3A_168 = arith.addf %sub3A_165, %add3A_167 : vector<50x1xf32>
    %div3A_169 = arith.constant 3.200000e+01 : f32
    %div3A_170 = vector.broadcast %div3A_169 : f32 to vector<50x1xf32>
    %div3A_171 = arith.divf %add3A_168, %div3A_170 : vector<50x1xf32>
    %div3A_172 = arith.divf %div3A_171, %broadcast_in_dim3A_146 : vector<50x1xf32>
    %broadcast_in_dim3A_173 = arith.constant 1.000000e+00 : f32
    %broadcast_in_dim3A_174 = vector.broadcast %broadcast_in_dim3A_173 : f32 to vector<50x1xf32>
    %concatenate3A = tpu.concatenate %sub3A_155, %sub3A_156, %div3A_164, %div3A_172, %broadcast_in_dim3A_174 in 1 : vector<50x1xf32>, vector<50x1xf32>, vector<50x1xf32>, vector<50x1xf32>, vector<50x1xf32> -> vector<50x5xf32>
    %jit3A_175 = arith.constant 0.000000e+00 : f32
    %jit3A_176 = arith.constant 7.900000e+01 : f32
    %max3A = vector.broadcast %jit3A_175 : f32 to vector<50x1xf32>
    %max3A_177 = arith.maximumf %max3A, %slice3A_6 : vector<50x1xf32>
    %min3A_178 = vector.broadcast %jit3A_176 : f32 to vector<50x1xf32>
    %min3A_179 = arith.minimumf %min3A_178, %max3A_177 : vector<50x1xf32>
    %iota3A_180 = tpu.iota {dimensions = array<i32: 1>} : vector<50x80xi32>
    %convert_element_type3A_181 = arith.sitofp %iota3A_180 : vector<50x80xi32> to vector<50x80xf32>
    %floor3A_182 = math.floor %min3A_179 : vector<50x1xf32>
    %eq3A_183 = vector.broadcast %floor3A_182 : vector<50x1xf32> to vector<50x80xf32>
    %eq3A_184 = arith.cmpf oeq, %convert_element_type3A_181, %eq3A_183 : vector<50x80xf32>
    %convert_element_type3A_185 = arith.extui %eq3A_184 : vector<50x80xi1> to vector<50x80xi32>
    %convert_element_type3A_186 = arith.sitofp %convert_element_type3A_185 : vector<50x80xi32> to vector<50x80xf32>
    %iota3A_187 = tpu.iota {dimensions = array<i32: 1>} : vector<1x8000xi32>
    %convert_element_type3A_188 = arith.sitofp %iota3A_187 : vector<1x8000xi32> to vector<1x8000xf32>
    %div3A_189 = arith.constant 5.000000e+00 : f32
    %div3A_190 = vector.broadcast %div3A_189 : f32 to vector<1x8000xf32>
    %div3A_191 = arith.divf %convert_element_type3A_188, %div3A_190 : vector<1x8000xf32>
    %floor3A_192 = math.floor %div3A_191 : vector<1x8000xf32>
    %mul3A_193 = arith.constant 5.000000e+00 : f32
    %mul3A_194 = vector.broadcast %mul3A_193 : f32 to vector<1x8000xf32>
    %mul3A_195 = arith.mulf %mul3A_194, %floor3A_192 : vector<1x8000xf32>
    %sub3A_196 = arith.subf %convert_element_type3A_188, %mul3A_195 : vector<1x8000xf32>
    %div3A_197 = arith.constant 4.000000e+01 : f32
    %div3A_198 = vector.broadcast %div3A_197 : f32 to vector<1x8000xf32>
    %div3A_199 = arith.divf %floor3A_192, %div3A_198 : vector<1x8000xf32>
    %floor3A_200 = math.floor %div3A_199 : vector<1x8000xf32>
    %mul3A_201 = arith.constant 4.000000e+01 : f32
    %mul3A_202 = vector.broadcast %mul3A_201 : f32 to vector<1x8000xf32>
    %mul3A_203 = arith.mulf %mul3A_202, %floor3A_200 : vector<1x8000xf32>
    %sub3A_204 = arith.subf %floor3A_192, %mul3A_203 : vector<1x8000xf32>
    %get3A_205 = arith.constant 0 : index
    %get3A_206 = arith.constant 0 : index
    %get3A_207 = arith.constant 0 : index
    %get3A_208 = vector.load %arg1[%get3A_205, %get3A_206, %get3A_207] : memref<1x4x8000xf32, #tpu.memory_space<vmem>>, vector<1x4x8000xf32>
    %squeeze3A_209 = vector.shape_cast %get3A_208 : vector<1x4x8000xf32> to vector<4x8000xf32>
    %slice3A_210 = vector.extract_strided_slice %squeeze3A_209 {offsets = [0, 0], sizes = [1, 8000], strides = [1, 1]} : vector<4x8000xf32> to vector<1x8000xf32>
    %slice3A_211 = vector.extract_strided_slice %squeeze3A_209 {offsets = [1, 0], sizes = [1, 8000], strides = [1, 1]} : vector<4x8000xf32> to vector<1x8000xf32>
    %slice3A_212 = vector.extract_strided_slice %squeeze3A_209 {offsets = [2, 0], sizes = [1, 8000], strides = [1, 1]} : vector<4x8000xf32> to vector<1x8000xf32>
    %slice3A_213 = vector.extract_strided_slice %squeeze3A_209 {offsets = [3, 0], sizes = [1, 8000], strides = [1, 1]} : vector<4x8000xf32> to vector<1x8000xf32>
    %eq3A_214 = arith.constant 0.000000e+00 : f32
    %eq3A_215 = vector.broadcast %eq3A_214 : f32 to vector<1x8000xf32>
    %eq3A_216 = arith.cmpf oeq, %sub3A_196, %eq3A_215 : vector<1x8000xf32>
    %eq3A_217 = arith.constant 1.000000e+00 : f32
    %eq3A_218 = vector.broadcast %eq3A_217 : f32 to vector<1x8000xf32>
    %eq3A_219 = arith.cmpf oeq, %sub3A_196, %eq3A_218 : vector<1x8000xf32>
    %eq3A_220 = arith.constant 2.000000e+00 : f32
    %eq3A_221 = vector.broadcast %eq3A_220 : f32 to vector<1x8000xf32>
    %eq3A_222 = arith.cmpf oeq, %sub3A_196, %eq3A_221 : vector<1x8000xf32>
    %eq3A_223 = arith.constant 3.000000e+00 : f32
    %eq3A_224 = vector.broadcast %eq3A_223 : f32 to vector<1x8000xf32>
    %eq3A_225 = arith.cmpf oeq, %sub3A_196, %eq3A_224 : vector<1x8000xf32>
    %jit3A_226 = arith.constant 9.47111988 : f32
    %jit3A_227 = arith.constant 1.123640e+01 : f32
    %broadcast_in_dim3A_228 = vector.broadcast %jit3A_226 : f32 to vector<1x8000xf32>
    %broadcast_in_dim3A_229 = vector.broadcast %jit3A_227 : f32 to vector<1x8000xf32>
    %select_n3A_230 = arith.select %eq3A_225, %broadcast_in_dim3A_228, %broadcast_in_dim3A_229 : vector<1x8000xi1>, vector<1x8000xf32>
    %jit3A_231 = arith.constant 5.055870e+00 : f32
    %broadcast_in_dim3A_232 = vector.broadcast %jit3A_231 : f32 to vector<1x8000xf32>
    %select_n3A_233 = arith.select %eq3A_222, %broadcast_in_dim3A_232, %select_n3A_230 : vector<1x8000xi1>, vector<1x8000xf32>
    %jit3A_234 = arith.constant 3.192750e+00 : f32
    %broadcast_in_dim3A_235 = vector.broadcast %jit3A_234 : f32 to vector<1x8000xf32>
    %select_n3A_236 = arith.select %eq3A_219, %broadcast_in_dim3A_235, %select_n3A_233 : vector<1x8000xi1>, vector<1x8000xf32>
    %jit3A_237 = arith.constant 1.322100e+00 : f32
    %broadcast_in_dim3A_238 = vector.broadcast %jit3A_237 : f32 to vector<1x8000xf32>
    %select_n3A_239 = arith.select %eq3A_216, %broadcast_in_dim3A_238, %select_n3A_236 : vector<1x8000xi1>, vector<1x8000xf32>
    %eq3A_240 = arith.constant 0.000000e+00 : f32
    %eq3A_241 = vector.broadcast %eq3A_240 : f32 to vector<1x8000xf32>
    %eq3A_242 = arith.cmpf oeq, %sub3A_196, %eq3A_241 : vector<1x8000xf32>
    %eq3A_243 = arith.constant 1.000000e+00 : f32
    %eq3A_244 = vector.broadcast %eq3A_243 : f32 to vector<1x8000xf32>
    %eq3A_245 = arith.cmpf oeq, %sub3A_196, %eq3A_244 : vector<1x8000xf32>
    %eq3A_246 = arith.constant 2.000000e+00 : f32
    %eq3A_247 = vector.broadcast %eq3A_246 : f32 to vector<1x8000xf32>
    %eq3A_248 = arith.cmpf oeq, %sub3A_196, %eq3A_247 : vector<1x8000xf32>
    %eq3A_249 = arith.constant 3.000000e+00 : f32
    %eq3A_250 = vector.broadcast %eq3A_249 : f32 to vector<1x8000xf32>
    %eq3A_251 = arith.cmpf oeq, %sub3A_196, %eq3A_250 : vector<1x8000xf32>
    %jit3A_252 = arith.constant 4.840530e+00 : f32
    %jit3A_253 = arith.constant 1.000710e+01 : f32
    %broadcast_in_dim3A_254 = vector.broadcast %jit3A_252 : f32 to vector<1x8000xf32>
    %broadcast_in_dim3A_255 = vector.broadcast %jit3A_253 : f32 to vector<1x8000xf32>
    %select_n3A_256 = arith.select %eq3A_251, %broadcast_in_dim3A_254, %broadcast_in_dim3A_255 : vector<1x8000xi1>, vector<1x8000xf32>
    %jit3A_257 = arith.constant 8.09891986 : f32
    %broadcast_in_dim3A_258 = vector.broadcast %jit3A_257 : f32 to vector<1x8000xf32>
    %select_n3A_259 = arith.select %eq3A_248, %broadcast_in_dim3A_258, %select_n3A_256 : vector<1x8000xi1>, vector<1x8000xf32>
    %jit3A_260 = arith.constant 4.009440e+00 : f32
    %broadcast_in_dim3A_261 = vector.broadcast %jit3A_260 : f32 to vector<1x8000xf32>
    %select_n3A_262 = arith.select %eq3A_245, %broadcast_in_dim3A_261, %select_n3A_259 : vector<1x8000xi1>, vector<1x8000xf32>
    %jit3A_263 = arith.constant 1.731450e+00 : f32
    %broadcast_in_dim3A_264 = vector.broadcast %jit3A_263 : f32 to vector<1x8000xf32>
    %select_n3A_265 = arith.select %eq3A_242, %broadcast_in_dim3A_264, %select_n3A_262 : vector<1x8000xi1>, vector<1x8000xf32>
    %add3A_266 = arith.addf %slice3A_210, %sub3A_204 : vector<1x8000xf32>
    %div3A_267 = arith.constant 4.000000e+01 : f32
    %div3A_268 = vector.broadcast %div3A_267 : f32 to vector<1x8000xf32>
    %div3A_269 = arith.divf %add3A_266, %div3A_268 : vector<1x8000xf32>
    %add3A_270 = arith.addf %slice3A_211, %floor3A_200 : vector<1x8000xf32>
    %div3A_271 = arith.constant 4.000000e+01 : f32
    %div3A_272 = vector.broadcast %div3A_271 : f32 to vector<1x8000xf32>
    %div3A_273 = arith.divf %add3A_270, %div3A_272 : vector<1x8000xf32>
    %mul3A_274 = arith.mulf %slice3A_212, %select_n3A_239 : vector<1x8000xf32>
    %mul3A_275 = arith.constant 5.000000e-01 : f32
    %mul3A_276 = vector.broadcast %mul3A_275 : f32 to vector<1x8000xf32>
    %mul3A_277 = arith.mulf %mul3A_274, %mul3A_276 : vector<1x8000xf32>
    %div3A_278 = arith.constant 4.000000e+01 : f32
    %div3A_279 = vector.broadcast %div3A_278 : f32 to vector<1x8000xf32>
    %div3A_280 = arith.divf %mul3A_277, %div3A_279 : vector<1x8000xf32>
    %mul3A_281 = arith.mulf %slice3A_213, %select_n3A_265 : vector<1x8000xf32>
    %mul3A_282 = arith.constant 5.000000e-01 : f32
    %mul3A_283 = vector.broadcast %mul3A_282 : f32 to vector<1x8000xf32>
    %mul3A_284 = arith.mulf %mul3A_281, %mul3A_283 : vector<1x8000xf32>
    %div3A_285 = arith.constant 4.000000e+01 : f32
    %div3A_286 = vector.broadcast %div3A_285 : f32 to vector<1x8000xf32>
    %div3A_287 = arith.divf %mul3A_284, %div3A_286 : vector<1x8000xf32>
    %sub3A_288 = arith.subf %div3A_269, %div3A_280 : vector<1x8000xf32>
    %mul3A_289 = arith.constant 1.280000e+03 : f32
    %mul3A_290 = vector.broadcast %mul3A_289 : f32 to vector<1x8000xf32>
    %mul3A_291 = arith.mulf %sub3A_288, %mul3A_290 : vector<1x8000xf32>
    %sub3A_292 = arith.subf %div3A_273, %div3A_287 : vector<1x8000xf32>
    %mul3A_293 = arith.constant 1.280000e+03 : f32
    %mul3A_294 = vector.broadcast %mul3A_293 : f32 to vector<1x8000xf32>
    %mul3A_295 = arith.mulf %sub3A_292, %mul3A_294 : vector<1x8000xf32>
    %add3A_296 = arith.addf %div3A_269, %div3A_280 : vector<1x8000xf32>
    %mul3A_297 = arith.constant 1.280000e+03 : f32
    %mul3A_298 = vector.broadcast %mul3A_297 : f32 to vector<1x8000xf32>
    %mul3A_299 = arith.mulf %add3A_296, %mul3A_298 : vector<1x8000xf32>
    %add3A_300 = arith.addf %div3A_273, %div3A_287 : vector<1x8000xf32>
    %mul3A_301 = arith.constant 1.280000e+03 : f32
    %mul3A_302 = vector.broadcast %mul3A_301 : f32 to vector<1x8000xf32>
    %mul3A_303 = arith.mulf %add3A_300, %mul3A_302 : vector<1x8000xf32>
    %add3A_304 = arith.constant 1.000000e+00 : f32
    %add3A_305 = vector.broadcast %add3A_304 : f32 to vector<1x8000xf32>
    %add3A_306 = arith.addf %mul3A_299, %add3A_305 : vector<1x8000xf32>
    %add3A_307 = arith.constant 1.000000e+00 : f32
    %add3A_308 = vector.broadcast %add3A_307 : f32 to vector<1x8000xf32>
    %add3A_309 = arith.addf %mul3A_303, %add3A_308 : vector<1x8000xf32>
    %sub3A_310 = arith.subf %mul3A_299, %mul3A_291 : vector<1x8000xf32>
    %add3A_311 = arith.constant 1.000000e+00 : f32
    %add3A_312 = vector.broadcast %add3A_311 : f32 to vector<1x8000xf32>
    %add3A_313 = arith.addf %sub3A_310, %add3A_312 : vector<1x8000xf32>
    %sub3A_314 = arith.subf %mul3A_303, %mul3A_295 : vector<1x8000xf32>
    %add3A_315 = arith.constant 1.000000e+00 : f32
    %add3A_316 = vector.broadcast %add3A_315 : f32 to vector<1x8000xf32>
    %add3A_317 = arith.addf %sub3A_314, %add3A_316 : vector<1x8000xf32>
    %mul3A_318 = arith.mulf %add3A_313, %add3A_317 : vector<1x8000xf32>
    %min3A_319 = vector.broadcast %add3A_306 : vector<1x8000xf32> to vector<50x8000xf32>
    %min3A_320 = vector.broadcast %add3A_15 : vector<50x1xf32> to vector<50x8000xf32>
    %min3A_321 = arith.minimumf %min3A_319, %min3A_320 : vector<50x8000xf32>
    %max3A_322 = vector.broadcast %mul3A_291 : vector<1x8000xf32> to vector<50x8000xf32>
    %max3A_323 = vector.broadcast %slice3A : vector<50x1xf32> to vector<50x8000xf32>
    %max3A_324 = arith.maximumf %max3A_322, %max3A_323 : vector<50x8000xf32>
    %sub3A_325 = arith.subf %min3A_321, %max3A_324 : vector<50x8000xf32>
    %max3A_326 = arith.constant 0.000000e+00 : f32
    %max3A_327 = vector.broadcast %max3A_326 : f32 to vector<50x8000xf32>
    %max3A_328 = arith.maximumf %sub3A_325, %max3A_327 : vector<50x8000xf32>
    %min3A_329 = vector.broadcast %add3A_309 : vector<1x8000xf32> to vector<50x8000xf32>
    %min3A_330 = vector.broadcast %add3A_18 : vector<50x1xf32> to vector<50x8000xf32>
    %min3A_331 = arith.minimumf %min3A_329, %min3A_330 : vector<50x8000xf32>
    %max3A_332 = vector.broadcast %mul3A_295 : vector<1x8000xf32> to vector<50x8000xf32>
    %max3A_333 = vector.broadcast %slice3A_3 : vector<50x1xf32> to vector<50x8000xf32>
    %max3A_334 = arith.maximumf %max3A_332, %max3A_333 : vector<50x8000xf32>
    %sub3A_335 = arith.subf %min3A_331, %max3A_334 : vector<50x8000xf32>
    %max3A_336 = arith.constant 0.000000e+00 : f32
    %max3A_337 = vector.broadcast %max3A_336 : f32 to vector<50x8000xf32>
    %max3A_338 = arith.maximumf %sub3A_335, %max3A_337 : vector<50x8000xf32>
    %mul3A_339 = arith.mulf %max3A_328, %max3A_338 : vector<50x8000xf32>
    %add3A_340 = vector.broadcast %mul3A_318 : vector<1x8000xf32> to vector<50x8000xf32>
    %add3A_341 = vector.broadcast %mul3A : vector<50x1xf32> to vector<50x8000xf32>
    %add3A_342 = arith.addf %add3A_340, %add3A_341 : vector<50x8000xf32>
    %sub3A_343 = arith.subf %add3A_342, %mul3A_339 : vector<50x8000xf32>
    %div3A_344 = arith.divf %mul3A_339, %sub3A_343 : vector<50x8000xf32>
    %reduce_max3A_345 = arith.constant dense<0xFF800000> : vector<8000xf32>
    %reduce_max3A_346 = vector.multi_reduction <maximumf>, %div3A_344, %reduce_max3A_345 [0] : vector<50x8000xf32> to vector<8000xf32>
    %broadcast_in_dim3A_347 = vector.shape_cast %reduce_max3A_346 : vector<8000xf32> to vector<1x8000xf32>
    %eq3A_348 = vector.broadcast %select_n3A_154 : vector<50x1xf32> to vector<50x8000xf32>
    %eq3A_349 = vector.broadcast %convert_element_type3A_188 : vector<1x8000xf32> to vector<50x8000xf32>
    %eq3A_350 = arith.cmpf oeq, %eq3A_348, %eq3A_349 : vector<50x8000xf32>
    %convert_element_type3A_351 = arith.extui %eq3A_350 : vector<50x8000xi1> to vector<50x8000xi32>
    %convert_element_type3A_352 = arith.sitofp %convert_element_type3A_351 : vector<50x8000xi32> to vector<50x8000xf32>
    %jit3A_353 = arith.constant -1.000000e+00 : f32
    %broadcast_in_dim3A_354 = vector.shape_cast %convert_element_type3A : vector<50x1xf32> to vector<50x1xf32>
    %broadcast_in_dim3A_355 = vector.broadcast %broadcast_in_dim3A_354 : vector<50x1xf32> to vector<50x8000xf32>
    %broadcast_in_dim3A_356 = vector.broadcast %jit3A_353 : f32 to vector<50x8000xf32>
    %select_n3A_357 = arith.select %eq3A_350, %broadcast_in_dim3A_355, %broadcast_in_dim3A_356 : vector<50x8000xi1>, vector<50x8000xf32>
    %reduce_max3A_358 = arith.constant dense<0xFF800000> : vector<8000xf32>
    %reduce_max3A_359 = vector.multi_reduction <maximumf>, %select_n3A_357, %reduce_max3A_358 [0] : vector<50x8000xf32> to vector<8000xf32>
    %broadcast_in_dim3A_360 = vector.shape_cast %reduce_max3A_359 : vector<8000xf32> to vector<1x8000xf32>
    %eq3A_361 = vector.broadcast %convert_element_type3A : vector<50x1xf32> to vector<50x8000xf32>
    %eq3A_362 = vector.broadcast %broadcast_in_dim3A_360 : vector<1x8000xf32> to vector<50x8000xf32>
    %eq3A_363 = arith.cmpf oeq, %eq3A_361, %eq3A_362 : vector<50x8000xf32>
    %convert_element_type3A_364 = arith.extui %eq3A_363 : vector<50x8000xi1> to vector<50x8000xi32>
    %convert_element_type3A_365 = arith.sitofp %convert_element_type3A_364 : vector<50x8000xi32> to vector<50x8000xf32>
    %mul3A_366 = arith.mulf %convert_element_type3A_352, %convert_element_type3A_365 : vector<50x8000xf32>
    %mul3A_367 = arith.mulf %mul3A_366, %div3A_344 : vector<50x8000xf32>
    %reduce_sum3A_368 = arith.constant dense<0.000000e+00> : vector<8000xf32>
    %reduce_sum3A_369 = vector.multi_reduction <add>, %mul3A_367, %reduce_sum3A_368 [0] : vector<50x8000xf32> to vector<8000xf32>
    %broadcast_in_dim3A_370 = vector.shape_cast %reduce_sum3A_369 : vector<8000xf32> to vector<1x8000xf32>
    %ge3A_371 = arith.constant 0.000000e+00 : f32
    %ge3A_372 = vector.broadcast %ge3A_371 : f32 to vector<1x8000xf32>
    %ge3A_373 = arith.cmpf oge, %broadcast_in_dim3A_360, %ge3A_372 : vector<1x8000xf32>
    %transpose3A = tpu.transpose %convert_element_type3A_352, [1, 0] : vector<50x8000xf32> -> vector<8000x50xf32>
    %transpose3A_374 = tpu.transpose %mul3A_366, [1, 0] : vector<50x8000xf32> -> vector<8000x50xf32>
    %dot_general3A = arith.constant dense<0.000000e+00> : vector<8000x80xf32>
    %dot_general3A_375 = tpu.matmul %transpose3A, %convert_element_type3A_186, %dot_general3A {dimension_numbers = #tpu.dot_dimension_numbers<[1], [0], [0], [1], [0, 0, 1, 1], [], []>, transpose_lhs_hint = false} : vector<8000x50xf32>, vector<50x80xf32>, vector<8000x80xf32> -> vector<8000x80xf32>
    %min3A_376 = arith.constant 1.000000e+00 : f32
    %min3A_377 = vector.broadcast %min3A_376 : f32 to vector<8000x80xf32>
    %min3A_378 = arith.minimumf %dot_general3A_375, %min3A_377 : vector<8000x80xf32>
    %dot_general3A_379 = arith.constant dense<0.000000e+00> : vector<8000x5xf32>
    %dot_general3A_380 = tpu.matmul %transpose3A_374, %concatenate3A, %dot_general3A_379 {dimension_numbers = #tpu.dot_dimension_numbers<[1], [0], [0], [1], [0, 0, 1, 1], [], []>, transpose_lhs_hint = false} : vector<8000x50xf32>, vector<50x5xf32>, vector<8000x5xf32> -> vector<8000x5xf32>
    %slice3A_381 = vector.extract_strided_slice %dot_general3A_380 {offsets = [0, 4], sizes = [8000, 1], strides = [1, 1]} : vector<8000x5xf32> to vector<8000x1xf32>
    %iota3A_382 = tpu.iota {dimensions = array<i32: 1>} : vector<1x4xi32>
    %lt3A_383 = arith.constant 2 : i32
    %lt3A_384 = vector.broadcast %lt3A_383 : i32 to vector<1x4xi32>
    %lt3A_385 = arith.cmpi slt, %iota3A_382, %lt3A_384 : vector<1x4xi32>
    %jit3A_386 = arith.constant 5.000000e-01 : f32
    %jit3A_387 = arith.constant 1.000000e+00 : f32
    %broadcast_in_dim3A_388 = vector.broadcast %jit3A_386 : f32 to vector<1x4xf32>
    %broadcast_in_dim3A_389 = vector.broadcast %jit3A_387 : f32 to vector<1x4xf32>
    %select_n3A_390 = arith.select %lt3A_385, %broadcast_in_dim3A_388, %broadcast_in_dim3A_389 : vector<1x4xi1>, vector<1x4xf32>
    %slice3A_391 = vector.extract_strided_slice %dot_general3A_380 {offsets = [0, 0], sizes = [8000, 4], strides = [1, 1]} : vector<8000x5xf32> to vector<8000x4xf32>
    %sub3A_392 = arith.constant 1.000000e+00 : f32
    %sub3A_393 = vector.broadcast %sub3A_392 : f32 to vector<8000x1xf32>
    %sub3A_394 = arith.subf %sub3A_393, %slice3A_381 : vector<8000x1xf32>
    %mul3A_395 = vector.broadcast %sub3A_394 : vector<8000x1xf32> to vector<8000x4xf32>
    %mul3A_396 = vector.broadcast %select_n3A_390 : vector<1x4xf32> to vector<8000x4xf32>
    %mul3A_397 = arith.mulf %mul3A_395, %mul3A_396 : vector<8000x4xf32>
    %add3A_398 = arith.addf %slice3A_391, %mul3A_397 : vector<8000x4xf32>
    %get3A_399 = arith.constant 0 : index
    %get3A_400 = arith.constant 0 : index
    %get3A_401 = arith.constant 0 : index
    %get3A_402 = vector.load %arg2[%get3A_399, %get3A_400, %get3A_401] : memref<1x1x8000xf32, #tpu.memory_space<vmem>>, vector<1x1x8000xf32>
    %squeeze3A_403 = vector.shape_cast %get3A_402 : vector<1x1x8000xf32> to vector<1x8000xf32>
    %sub3A_404 = arith.constant 1.000000e+00 : f32
    %sub3A_405 = vector.broadcast %sub3A_404 : f32 to vector<1x8000xf32>
    %sub3A_406 = arith.subf %sub3A_405, %squeeze3A_403 : vector<1x8000xf32>
    %mul3A_407 = arith.constant 5.000000e+00 : f32
    %mul3A_408 = vector.broadcast %mul3A_407 : f32 to vector<1x8000xf32>
    %mul3A_409 = arith.mulf %mul3A_408, %sub3A_406 : vector<1x8000xf32>
    %lt3A_410 = arith.constant 6.000000e-01 : f32
    %lt3A_411 = vector.broadcast %lt3A_410 : f32 to vector<1x8000xf32>
    %lt3A_412 = arith.cmpf olt, %broadcast_in_dim3A_347, %lt3A_411 : vector<1x8000xf32>
    %neg3A = arith.constant 0.000000e+00 : f32
    %neg3A_413 = vector.broadcast %neg3A : f32 to vector<1x8000xf32>
    %neg3A_414 = arith.subf %neg3A_413, %squeeze3A_403 : vector<1x8000xf32>
    %jit3A_415 = arith.constant 0.000000e+00 : f32
    %broadcast_in_dim3A_416 = vector.broadcast %jit3A_415 : f32 to vector<1x8000xf32>
    %select_n3A_417 = arith.select %lt3A_412, %neg3A_414, %broadcast_in_dim3A_416 : vector<1x8000xi1>, vector<1x8000xf32>
    %select_n3A_418 = arith.select %ge3A_373, %mul3A_409, %select_n3A_417 : vector<1x8000xi1>, vector<1x8000xf32>
    %broadcast_in_dim3A_419 = vector.shape_cast %add3A_398 : vector<8000x4xf32> to vector<1x8000x4xf32>
    %swap3A = arith.constant 0 : index
    %swap3A_420 = arith.constant 0 : index
    %swap3A_421 = arith.constant 0 : index
    %swap3A_422 = vector.load %arg5[%swap3A, %swap3A_420, %swap3A_421] : memref<1x8000x4xf32, #tpu.memory_space<vmem>>, vector<1x8000x4xf32>
    tpu.vector_store %arg5[%swap3A, %swap3A_420, %swap3A_421], %broadcast_in_dim3A_419 {strides = array<i32>} : memref<1x8000x4xf32, #tpu.memory_space<vmem>>, vector<1x8000x4xf32>,
    %broadcast_in_dim3A_423 = vector.shape_cast %broadcast_in_dim3A_370 : vector<1x8000xf32> to vector<1x1x8000xf32>
    %swap3A_424 = arith.constant 0 : index
    %swap3A_425 = arith.constant 0 : index
    %swap3A_426 = arith.constant 0 : index
    %swap3A_427 = vector.load %arg6[%swap3A_424, %swap3A_425, %swap3A_426] : memref<1x1x8000xf32, #tpu.memory_space<vmem>>, vector<1x1x8000xf32>
    tpu.vector_store %arg6[%swap3A_424, %swap3A_425, %swap3A_426], %broadcast_in_dim3A_423 {strides = array<i32>} : memref<1x1x8000xf32, #tpu.memory_space<vmem>>, vector<1x1x8000xf32>,
    %broadcast_in_dim3A_428 = vector.shape_cast %min3A_378 : vector<8000x80xf32> to vector<1x8000x80xf32>
    %swap3A_429 = arith.constant 0 : index
    %swap3A_430 = arith.constant 0 : index
    %swap3A_431 = arith.constant 0 : index
    %swap3A_432 = vector.load %arg7[%swap3A_429, %swap3A_430, %swap3A_431] : memref<1x8000x80xf32, #tpu.memory_space<vmem>>, vector<1x8000x80xf32>
    tpu.vector_store %arg7[%swap3A_429, %swap3A_430, %swap3A_431], %broadcast_in_dim3A_428 {strides = array<i32>} : memref<1x8000x80xf32, #tpu.memory_space<vmem>>, vector<1x8000x80xf32>,
    %jit3A_433 = arith.constant 1.000000e+00 : f32
    %jit3A_434 = arith.constant 0.00999999977 : f32
    %broadcast_in_dim3A_435 = vector.broadcast %jit3A_433 : f32 to vector<1x8000xf32>
    %broadcast_in_dim3A_436 = vector.broadcast %jit3A_434 : f32 to vector<1x8000xf32>
    %select_n3A_437 = arith.select %ge3A_373, %broadcast_in_dim3A_435, %broadcast_in_dim3A_436 : vector<1x8000xi1>, vector<1x8000xf32>
    %broadcast_in_dim3A_438 = vector.shape_cast %select_n3A_437 : vector<1x8000xf32> to vector<1x1x8000xf32>
    %swap3A_439 = arith.constant 0 : index
    %swap3A_440 = arith.constant 0 : index
    %swap3A_441 = arith.constant 0 : index
    %swap3A_442 = vector.load %arg8[%swap3A_439, %swap3A_440, %swap3A_441] : memref<1x1x8000xf32, #tpu.memory_space<vmem>>, vector<1x1x8000xf32>
    tpu.vector_store %arg8[%swap3A_439, %swap3A_440, %swap3A_441], %broadcast_in_dim3A_438 {strides = array<i32>} : memref<1x1x8000xf32, #tpu.memory_space<vmem>>, vector<1x1x8000xf32>,
    %broadcast_in_dim3A_443 = vector.shape_cast %select_n3A_418 : vector<1x8000xf32> to vector<1x1x8000xf32>
    %swap3A_444 = arith.constant 0 : index
    %swap3A_445 = arith.constant 0 : index
    %swap3A_446 = arith.constant 0 : index
    %swap3A_447 = vector.load %arg9[%swap3A_444, %swap3A_445, %swap3A_446] : memref<1x1x8000xf32, #tpu.memory_space<vmem>>, vector<1x1x8000xf32>
    tpu.vector_store %arg9[%swap3A_444, %swap3A_445, %swap3A_446], %broadcast_in_dim3A_443 {strides = array<i32>} : memref<1x1x8000xf32, #tpu.memory_space<vmem>>, vector<1x1x8000xf32>,
    %jit3A_448 = arith.constant 1.000000e+00 : f32
    %jit3A_449 = arith.constant 0.000000e+00 : f32
    %broadcast_in_dim3A_450 = vector.broadcast %jit3A_448 : f32 to vector<1x8000xf32>
    %broadcast_in_dim3A_451 = vector.broadcast %jit3A_449 : f32 to vector<1x8000xf32>
    %select_n3A_452 = arith.select %ge3A_373, %broadcast_in_dim3A_450, %broadcast_in_dim3A_451 : vector<1x8000xi1>, vector<1x8000xf32>
    %broadcast_in_dim3A_453 = vector.shape_cast %select_n3A_452 : vector<1x8000xf32> to vector<1x1x8000xf32>
    %swap3A_454 = arith.constant 0 : index
    %swap3A_455 = arith.constant 0 : index
    %swap3A_456 = arith.constant 0 : index
    %swap3A_457 = vector.load %arg10[%swap3A_454, %swap3A_455, %swap3A_456] : memref<1x1x8000xf32, #tpu.memory_space<vmem>>, vector<1x1x8000xf32>
    tpu.vector_store %arg10[%swap3A_454, %swap3A_455, %swap3A_456], %broadcast_in_dim3A_453 {strides = array<i32>} : memref<1x1x8000xf32, #tpu.memory_space<vmem>>, vector<1x1x8000xf32>,
    return
  }
  func.func @transform_0(%arg0: i32) -> (i32, i32, i32) {
    %c0_i32 = arith.constant 0 : i32
    %c0_i32_0 = arith.constant 0 : i32
    %c0_i32_1 = arith.constant 0 : i32
    return %arg0, %c0_i32, %c0_i32_0 : i32, i32, i32
  }
  func.func @transform_1(%arg0: i32) -> (i32, i32, i32) {
    %c0_i32 = arith.constant 0 : i32
    %c0_i32_0 = arith.constant 0 : i32
    %c0_i32_1 = arith.constant 0 : i32
    return %arg0, %c0_i32, %c0_i32_0 : i32, i32, i32
  }
  func.func @transform_2(%arg0: i32) -> (i32, i32, i32) {
    %c0_i32 = arith.constant 0 : i32
    %c0_i32_0 = arith.constant 0 : i32
    %c0_i32_1 = arith.constant 0 : i32
    return %arg0, %c0_i32, %c0_i32_0 : i32, i32, i32
  }
  func.func @transform_3(%arg0: i32) -> (i32, i32, i32) {
    %c0_i32 = arith.constant 0 : i32
    %c0_i32_0 = arith.constant 0 : i32
    %c0_i32_1 = arith.constant 0 : i32
    return %arg0, %c0_i32, %c0_i32_0 : i32, i32, i32
  }
  func.func @transform_4(%arg0: i32) -> (i32, i32, i32) {
    %c0_i32 = arith.constant 0 : i32
    %c0_i32_0 = arith.constant 0 : i32
    %c0_i32_1 = arith.constant 0 : i32
    return %arg0, %c0_i32, %c0_i32_0 : i32, i32, i32
  }
  func.func @transform_5(%arg0: i32) -> (i32, i32, i32) {
    %c0_i32 = arith.constant 0 : i32
    %c0_i32_0 = arith.constant 0 : i32
    %c0_i32_1 = arith.constant 0 : i32
    return %arg0, %c0_i32, %c0_i32_0 : i32, i32, i32
  }
  func.func @transform_6(%arg0: i32) -> (i32, i32, i32) {
    %c0_i32 = arith.constant 0 : i32
    %c0_i32_0 = arith.constant 0 : i32
    %c0_i32_1 = arith.constant 0 : i32
    return %arg0, %c0_i32, %c0_i32_0 : i32, i32, i32
  }
  func.func @transform_7(%arg0: i32) -> (i32, i32, i32) {
    %c0_i32 = arith.constant 0 : i32
    %c0_i32_0 = arith.constant 0 : i32
    %c0_i32_1 = arith.constant 0 : i32
    return %arg0, %c0_i32, %c0_i32_0 : i32, i32, i32
  }
  func.func @transform_8(%arg0: i32) -> (i32, i32, i32) {
    %c0_i32 = arith.constant 0 : i32
    %c0_i32_0 = arith.constant 0 : i32
    %c0_i32_1 = arith.constant 0 : i32
    return %arg0, %c0_i32, %c0_i32_0 : i32, i32, i32
  }
  func.func @transform_9(%arg0: i32) -> (i32, i32, i32) {
    %c0_i32 = arith.constant 0 : i32
    %c0_i32_0 = arith.constant 0 : i32
    %c0_i32_1 = arith.constant 0 : i32
    return %arg0, %c0_i32, %c0_i32_0 : i32, i32, i32
  }
}

</mosaic_0001>

<sc_bundles>
// kernel: sparse-core-data-format-call.cloned.1.call-start
scs
called_computation_lowered:
.L_overlay_start_0:
0x0: {  	s2 =	sld [smem:$0x3FD9]  }
0x1: {  	s3 =	sld [smem:$0x3FFE];
	_ =	sdelay $0x1  }
0x2: {  	s1 =	srdreg.scid  }
0x3: {  	s0 =	sand.u32 $0x1, s1  }
0x4: {  	s15 =	sshll.u32 s0, $0xA;
	s2 =	sadd.s32 s3, s2  }
0x5: {  	s2 =	sadd.s32 s2, s15  }
0x6: {  	[smem:$0x3FC4] =	sst s2  }
0x7: {  	_ = 	snop  }
0x8: {  	s2 =	sld [smem:$0x3FD0];
	_ =	sdelay $0x2  }
0x9: {  	s16 =	simm.s32 $0xA;
	s4 =	simm.s32 $0x10  }
0xa: {  	[smem:s4], [sflag:s16] =	dma.local [hbm:s2], $0x1  }
0xb: {  	_ =	swait.eq [sflag:s16], $0x1  }
0xc: {  	[sflag:s16] =	ssyncset.done $0x0  }
0xd: {  	[sflag:s16] =	ssyncadd.s32 $0xFFFFFFFF  }
0xe: {  	s17 =	sld [smem:$0x12];
	(tm) =	ssettm $0x1  }
0xf: {  	s18 =	sld [smem:$0x3FFB];
	_ =	sdelay $0x3  }
0x10: {  	_ =	strace s18  }
0x11: {  	s3 =	sld [smem:$0x3FFC];
	_ =	sdelay $0x3  }
0x12: {  	_ =	strace s3  }
0x13: {  	s3 =	sld [smem:$0x3FFD];
	_ =	sdelay $0x3  }
0x14: {  	_ =	strace s3  }
0x15: {  	_ =	strace $0x8FFFFFFF  }
0x16: {  	s19 =	sld [smem:$0x3FDB];
	_ =	sdelay $0x1  }
0x17: {  	s20 =	simm.s32 $_scs_section_size  }
0x18: {  	s5 =	simm.s32 $_size__tile_overlayer_lowered;
	s6 =	simm.s32 $_tile_overlayer_lowered  }
0x19: {  	s23 =	simm.s32 $0x1BFF;
	s22 =	sshll.u32 s6, $0x1;
	s3 =	sadd.s32 s20, s19  }
0x1a: {  	s7 =	simm.s32 $0x0;
	s21 =	sshll.u32 s5, $0x1;
	s5 =	sadd.s32 s22, s3  }
0x1b: {  	[timem:s7], [sflag:s23] =	dma.local [hbm:s5], s21  }
0x1c: {  	_ =	swait.ge [sflag:s23], s21  }
0x1d: {  	s4 =	ssub.s32 $0x0, s21;
	[sflag:s23] =	ssyncset.done $0x0  }
0x1e: {  	[sflag:s23] =	ssyncadd.s32 s4;
	_ =	sdelay $0x1  }
0x1f: {  	s24 =	simm.s32 $0x1B8B  }
0x20: {  	_ =	swait.ge [sflag:s24], $0x1  }
0x21: {  	[sflag:s24] =	ssyncset.done $0x0  }
0x22: {  	s26 =	simm.s32 $0x1B8E;
	s25 =	sld [smem:$0x3FFE];
	[sflag:s24] =	ssyncadd.s32 $0xFFFFFFFF  }
0x23: {  	s27 =	simm.s32 $execute0_lowered;
	[smem:$0x3FD2] =	sst s26  }
0x24: {  	s5 =	sshll.u32 s27, $0x1;
	_ =	strace $0x80000046;
	[dreg:$0x1] =	wrdreg $0xFFFFFFFF  }
0x25: {  	s28 =	simm.s32 $_size_execute0_lowered;
	s3 =	sadd.s32 s3, s5;
	[dreg:$0x0] =	wrdreg $0x0  }
0x26: {  	s5 =	sshll.u32 s28, $0x1;
	[dreg:$0x2] =	wrdreg s3  }
0x27: {  	[dreg:$0x3] =	wrdreg s5  }
0x28: {  	[dreg:$0x4] =	wrdreg $0xC0  }
0x29: {  	_ =	task [dreg:s7], $0x5FFFF  }
0x2a: {  	[dreg:$0x1] =	wrdreg $0xFFFFFFFF  }
0x2b: {  	[dreg:$0x0] =	wrdreg $0x60  }
0x2c: {  	[dreg:$0x2] =	wrdreg s25  }
0x2d: {  	[dreg:$0x3] =	wrdreg s17  }
0x2e: {  	[dreg:$0x4] =	wrdreg $0x9  }
0x2f: {  	_ =	task.clear_ibuf [dreg:s7], $0x5FFFF;
	_ =	strace $0x90000046  }
0x30: {  	s29 =	simm.s32 $0x9;
	_ =	strace $0x80000048  }
0x31: {  	_ =	swait.ge [sflag:s29], $0x1  }
0x32: {  	[sflag:s29] =	ssyncadd.s32 $0xFFFFFFFF  }
0x33: {  	_ =	strace $0x90000048  }
0x34: {  	_ =	sfence  }
0x35: {  	s30 =	sld [smem:$0x0];
	_ =	sdelay $0x2  }
0x36: {  	s31 =	sshll.u32 s1, $0xD;
	s1 =	sshrl.u32 s1, $0x2  }
0x37: {  	s3 =	sand.u32 $0x4000, s31;
	s1 =	sadd.s32 s1, s30  }
0x38: {  	s0 =	sor.u32 s3, s0;
	s1 =	sshll.u32 s1, $0x11  }
0x39: {  	s0 =	sor.u32 s1, s0  }
0x3a: {  	s0 =	sadd.s32 $0x8F2B, s0  }
0x3b: {  	[sflag:s0] =	ssyncadd.remote.s32 $0x1  }
0x3c: {  	_ =	sfence.sel $0xFFFF  }
0x3d: {  	[dreg:$0x0] =	wrdreg $0xFFFFFFFF;
	(pc) =	sbr.abs _section_cstart, $3  }
0x3e: {  	[dreg:$0x1] =	wrdreg $0xFFFFFFFF  }
0x3f: {  	_ =	task.clear_ibuf [dreg:s7], $0x2FFFF;
	_ =	strace $0x9FFFFFFF  }
0x40: {  	(tm) =	ssettm $0x7FFFFFFF  }
0x41: {  	_ =	shalt  }
tec
execute0_lowered:
.L_overlay_start_1:
0x0: {  	(tag) =	ssettag $0x1  }
0x1: {  	s0 =	srdreg.scid;
	s1 =	rddreg [dreg:$0x0]  }
0x2: {  	s3 =	stileid.u32;
	_ =	strace $0x80000047;
	s30 =	simm.s32 $0x1  }
0x3: {  	s4 =	simm.s32 $0x2;
	s0 =	sshll.u32 s0, $0x4;
	s2 =	sshll.u32 s3, $0x7  }
0x4: {  	s16 =	simm.s32 $0x0;
	s0 =	sand.u32 $0x10, s0;
	s13 =	sand.u32 $0x80, s2  }
0x5: {  	p0 =	por $0x0, $0x0;
	s0 =	sor.u32 s3, s0;
	s29 =	ssub.s32 $0x600, s13  }
0x6: {  	s15 =	simm.s32 $0x0;
	s28 =	sshrl.u32 s0, $0x1;
	s0 =	sshrl.u32 s29, $0x8  }
0x7: {  	s17 =	simm.s32 $0x0;
	s10 =	simm.s32 $0x0;
	s0 =	smul.u32 $0x5, s0  }
.Ltmp0:
0x8: {  	s11 =	simm.s32 $0x0;
	s12 =	simm.s32 $0x0;
	(pc) =	sbr.rel .LBB1_1-.Ltmp0, $4  }
0x9: {  	s14 =	simm.s32 $0x0;
	[dreg:$0x3] =	wrdreg s13;
	s2 =	sshll.u32 s28, $0x4  }
0xa: {  	[dreg:$0x4] =	wrdreg s28;
	s1 =	sadd.s32 s2, s1;
	s31 =	sadd.s32 $0x5, s0  }
0xb: {  	[sflag:s30] =	ssyncpa.u1 $0x0;
	s1 =	sadd.s32 $0x3F1800, s1;
	[dreg:$0x5] =	wrdreg s31  }
0xc: {  	[sflag:s4] =	ssyncpa.u1 $0x0;
	s8 =	sadd.s32 $0x6, s0;
	[dreg:$0x6] =	wrdreg s1  }
.LBB1_10:
0xd: {  	s0 =	sshll.u32 s11, $0x3;
	s1 =	sand.u32 $0x1, s14;
	s24 =	smul.u32 $0x4100, s10  }
0xe: {  	s2 =	sand.u32 $0x7F, s11;
	s25 =	smul.u32 $0x14500, s17;
	s0 =	sand.u32 $0xFFFFFC00, s0  }
0xf: {  	p1 =	sgt.s32 s11, $0x600;
	s4 =	smov.u32 s11;
	s3 =	smulhi.u32 $0x4EC4EC4F, s0  }
0x10: {  	s1 =	smul.u32 $0x4080, s1;
	s4 =	simm.s32 @!p1 $0x600;
	s0 =	sor.u32 s2, s0  }
0x11: {  	s4 =	sadd.s32 s18, s4;
	s2 =	smulhi.u32 $0x4EC4EC4F, s0;
	s3 =	sshrl.u32 s3, $0x9  }
0x12: {  	s6 =	ssub.s32 $0x680, s4;
	s5 =	smulhi.u32 $0x3333334, s3  }
0x13: {  	s27 =	rddreg [dreg:$0x1];
	s6 =	smul.u32 $0x50, s6  }
0x14: {  	s4 =	sadd.s32 $0xFFFFFA00, s4;
	s2 =	sshrl.u32 s2, $0x9;
	s22 =	smul.u32 $0x50, s5  }
0x15: {  	s31 =	simm.s32 $0x3400;
	p1 =	sgt.s32 s4, $0x7F;
	s2 =	smul.u32 $0x680, s2  }
0x16: {  	s1 =	sor.u32 $0x8000, s1;
	s6 =	simm.s32 @p1 $0x0;
	s3 =	ssub.s32 s3, s22  }
0x17: {  	s0 =	ssub.s32 s0, s2;
	s26 =	smul.u32 $0xD0, s3;
	s3 =	sadd.s32 s27, s24  }
0x18: {  	s23 =	smul.u32 s19, s6;
	s28 =	sand.u32 $0x7, s0;
	s3 =	sadd.s32 s25, s3  }
0x19: {  	s0 =	sshrl.u32 s0, $0x3;
	s29 =	sshll.u32 s28, $0x12;
	s2 =	sadd.s32 s26, s3  }
0x1a: {  	s5 =	sand.u32 $0x3FFFFFF0, s23;
	s30 =	sor.u32 $0x400, s29;
	s0 =	sadd.s32 s0, s2  }
0x1b: {  	[hbm4b:s0+s30] =	stream.strided.scatter [tilespmem:s1], [sflag:$0x2], s5, s31, s30, $0x20;
	[tilespmem:$0x10100] =	vst v63  }
.LBB1_11:
0x1c: {  	p1 =	slt.u32 s14, $0x2  }
0x1d: {  	s1 =	smov.u32 s16;
	s2 =	smov.u32 s15;
	p2 =	sgt.s32 @!p1 s16, $0x4  }
0x1e: {  	s0 =	sshra.s32 @!p1 s16, $0x1F;
	p3 =	sgt.s32 @!p1 s15, $0x600;
	s3 =	sshra.s32 @!p1 s15, $0x1F  }
0x1f: {  	p2 =	por !p2, p1;
	s0 =	sand.u32 @!p1 s0, s16;
	p3 =	por !p3, p1  }
0x20: {  	s3 =	sand.u32 @!p1 s3, s15;
	s1 =	simm.s32 @p2 $0x4;
	s2 =	simm.s32 @p3 $0x600  }
0x21: {  	s0 =	ssub.s32 @!p1 s1, s0;
	s1 =	ssub.s32 @!p1 s2, s3  }
0x22: {  	s2 =	sadd.s32 @!p1 $0xFFFFFFFC, s0;
	s0 =	ssub.s32 @!p1 $0x5, s0;
	s3 =	sadd.s32 @!p1 $0xFFFFFA00, s1  }
0x23: {  	p2 =	sgt.s32 @!p1 s2, $0x0;
	s0 =	smul.u32 @!p1 $0x50, s0;
	p3 =	sgt.s32 @!p1 s3, $0x7F  }
0x24: {  	s1 =	ssub.s32 @!p1 $0x680, s1;
	p2 =	por !p2, p1;
	p3 =	por !p3, p1  }
0x25: {  	s0 =	simm.s32 @!p2 $0x0;
	s1 =	simm.s32 @!p3 $0x0  }
0x26: {  	s0 =	smul.u32 @!p1 s1, s0  }
0x27: {  	s4 =	smov.u32 s13;
	s2 =	simm.s32 @!p1 $0x2;
	s1 =	sadd.s32 $0x1, s12  }
0x28: {  	s3 =	sadd.s32 $0x100, s13;
	p2 =	sgt.s32 s1, $0x4;
	s0 =	sand.u32 @!p1 $0x3FFFFFF0, s0  }
0x29: {  	s4 =	smov.u32 @p2 s3;
	_ =	swait.ge @!p1 [sflag:s2], s0  }
0x2a: {  	s1 =	simm.s32 @p2 $0x0;
	p2 =	sgt.s32 s4, $0x63F;
	s3 =	rddreg [dreg:$0x3]  }
0x2b: {  	s4 =	smov.u32 @p2 s3;
	p2 =	sne.s32 s14, s8  }
.Ltmp1:
0x2c: {  	_ = 	snop;
	(pc) =	sbr.rel @!p2 .LBB1_12-.Ltmp1, $4  }
0x2d: {  	p0 =	por !p0, !p0;
	s16 =	smov.u32 s10;
	s15 =	smov.u32 s11  }
0x2e: {  	s10 =	smov.u32 s12;
	s11 =	smov.u32 s13;
	s0 =	ssub.s32 @!p1 $0x0, s0  }
0x2f: {  	s12 =	smov.u32 s1;
	[sflag:s2] =	ssyncset.done @!p1 $0x0;
	s17 =	rddreg [dreg:$0x4]  }
0x30: {  	s14 =	sadd.s32 $0x1, s14;
	[sflag:s2] =	ssyncadd.s32 @!p1 s0;
	s13 =	smov.u32 s4  }
.LBB1_1:
0x31: {  	s0 =	rddreg [dreg:$0x5]  }
0x32: {  	p1 =	sge.u32 s14, s0  }
0x33: {  	p2 =	sgt.s32 @!p1 s13, $0x5C0  }
0x34: {  	s2 =	smov.u32 s12;
	s0 =	smov.u32 s13;
	p2 =	por !p2, p1  }
0x35: {  	s1 =	sshra.s32 @!p1 s13, $0x1F;
	s0 =	simm.s32 @p2 $0x5C0;
	p2 =	sgt.s32 @!p1 s12, $0x4  }
0x36: {  	s4 =	sshra.s32 @!p1 s12, $0x1F;
	s1 =	sand.u32 @!p1 s1, s13;
	p2 =	por !p2, p1  }
0x37: {  	s0 =	ssub.s32 @!p1 s0, s1;
	s1 =	sand.u32 @!p1 s4, s12;
	s2 =	simm.s32 @p2 $0x4  }
0x38: {  	s0 =	sadd.s32 @!p1 $0xFFFFFA40, s0;
	s1 =	ssub.s32 @!p1 s2, s1  }
0x39: {  	p2 =	sgt.s32 @!p1 s0, $0x7F;
	s2 =	sadd.s32 @!p1 $0xFFFFFFFC, s1  }
0x3a: {  	s0 =	sshll.u32 @!p1 s0, $0x7;
	s1 =	ssub.s32 @!p1 $0x5, s1;
	p3 =	sgt.s32 @!p1 s2, $0x0  }
0x3b: {  	s0 =	ssub.s32 @!p1 $0x4000, s0;
	p2 =	por !p2, p1;
	p3 =	por !p3, p1  }
0x3c: {  	s0 =	simm.s32 @!p2 $0x0;
	s1 =	simm.s32 @!p3 $0x0  }
0x3d: {  	s2 =	sxor.u32 @!p1 $0xFFFFFFFF, s14;
	s0 =	smul.u32 @!p1 s1, s0  }
0x3e: {  	s1 =	sshll.u32 @!p1 s2, $0xE;
	s2 =	smul.u32 @!p1 $0x500, s13  }
0x3f: {  	s3 =	rddreg [dreg:$0x6];
	s5 =	simm.s32 @!p1 $0x2800  }
0x40: {  	s4 =	sshll.u32 @!p1 s12, $0x8;
	s1 =	sand.u32 @!p1 $0x4000, s1;
	s2 =	sadd.s32 @!p1 s2, s3  }
0x41: {  	s0 =	sand.u32 @!p1 $0x3FFFFF80, s0;
	s2 =	sadd.s32 @!p1 s4, s2;
	s4 =	simm.s32 @!p1 $0x80  }
0x42: {  	[tilespmem:s1], [sflag:$0x1] =	stream.strided.gather @!p1 [hbm4b:s2+s4], s0, s5, s4, $0x38;
	[tilespmem:$0x10100] =	vst v63  }
0x43: {  	p1 =	seq.s32 s14, $0x0  }
0x44: {  	p2 =	sge.u32 @!p1 s14, s8  }
0x45: {  	p1 =	por p1, p2  }
.Ltmp2:
0x46: {  	_ = 	snop;
	(pc) =	sbr.rel @p1 .LBB1_11-.Ltmp2, $1  }
0x47: {  	_ =	sdelay $0x3  }
0x48: {  	s0 =	ssub.s32 $0x0, s11;
	s1 =	sshra.s32 s11, $0x1F  }
0x49: {  	p1 =	sgt.s32 s11, $0x5C0;
	s18 =	sand.u32 s0, s1;
	s0 =	smov.u32 s11  }
0x4a: {  	s2 =	sshra.s32 s10, $0x1F;
	s0 =	simm.s32 @!p1 $0x5C0  }
0x4b: {  	s1 =	smov.u32 s10;
	p1 =	sgt.s32 s10, $0x4;
	s0 =	sadd.s32 s18, s0  }
0x4c: {  	s2 =	sand.u32 s2, s10;
	s1 =	simm.s32 @!p1 $0x4;
	s0 =	sadd.s32 $0xFFFFFA40, s0  }
0x4d: {  	s1 =	ssub.s32 s1, s2;
	p1 =	sgt.s32 s0, $0x7F  }
0x4e: {  	s2 =	sadd.s32 $0xFFFFFFFC, s1;
	s19 =	ssub.s32 $0x5, s1;
	s0 =	sshll.u32 s0, $0x7  }
0x4f: {  	s1 =	sadd.s32 $0x80, s11;
	p2 =	sgt.s32 s2, $0x0;
	s0 =	ssub.s32 $0x4000, s0  }
0x50: {  	s2 =	sadd.s32 $0x1, s10;
	s0 =	simm.s32 @p1 $0x0;
	p1 =	slt.s32 s1, $0x640  }
0x51: {  	s1 =	simm.s32 @!p1 $0x640;
	p1 =	slt.s32 s2, $0x5  }
0x52: {  	s20 =	ssub.s32 s1, s11;
	s2 =	simm.s32 @!p1 $0x5  }
0x53: {  	s21 =	ssub.s32 s2, s10;
	p1 =	slt.s32 s20, $0x1  }
0x54: {  	s19 =	simm.s32 @p2 $0x0;
	p2 =	slt.s32 @!p1 s21, $0x1  }
0x55: {  	s0 =	smul.u32 s19, s0;
	p1 =	por p1, p2  }
.Ltmp3:
0x56: {  	_ = 	snop;
	(pc) =	sbr.rel @p1 .LBB1_10-.Ltmp3, $4  }
0x57: {  	s31 =	simm.s32 $0x1;
	s0 =	sand.u32 $0x3FFFFF80, s0  }
0x58: {  	_ =	swait.ge [sflag:s31], s0  }
0x59: {  	s0 =	ssub.s32 $0x0, s0;
	[sflag:s31] =	ssyncset.done $0x0  }
0x5a: {  	[sflag:s31] =	ssyncadd.s32 s0  }
0x5b: {  	s0 =	simm.s32 $0x1  }
0x5c: {  	s0 =	simm.s32 @!p0 $0x0  }
0x5d: {  	s24 =	simm.s32 $0x0;
	s1 =	smul.u32 $0x10200, s0  }
0x5e: {  	s25 =	simm.s32 $0x800;
	s26 =	simm.s32 $0x1000;
	s27 =	simm.s32 $0x1800  }
0x5f: {  	s28 =	simm.s32 $0x0;
	s0 =	sshll.u32 s0, $0xE;
	s1 =	sshrl.u32 s1, $0x2  }
0x60: {  	s29 =	simm.s32 $0x0;
	s22 =	sor.u32 $0x20, s0;
	s23 =	sor.u32 $0x8000, s1  }
.LBB1_4:
0x61: {  	s0 =	sshrl.u32 s24, $0xA;
	s1 =	sshrl.u32 s25, $0xA;
	s2 =	sand.u32 $0x7F, s28  }
0x62: {  	s4 =	sshrl.u32 s26, $0xA;
	s5 =	sshrl.u32 s27, $0xA;
	v4 =	vld [tilespmem:s22+$0x20];
	s0 =	sand.u32 $0xF, s0  }
0x63: {  	s6 =	sshrl.u32 s29, $0x4;
	v1 =	vld [tilespmem:s22+$0xFFFFFFF0];
	s1 =	sand.u32 $0xF, s1;
	s0 =	smul.u32 $0x1020, s0  }
0x64: {  	v2 =	vld [tilespmem:s22+$0x0];
	p2 =	sne.s32 s21, $0x1;
	s4 =	sand.u32 $0xF, s4;
	s1 =	smul.u32 $0x1020, s1  }
0x65: {  	v0 =	vld [tilespmem:s22+$0x10];
	s5 =	sand.u32 $0xF, s5;
	s6 =	sand.u32 $0x78, s6;
	s4 =	smul.u32 $0x1020, s4  }
0x66: {  	v3 =	vld [tilespmem:s22+$0xFFFFFFE0];
	s22 =	sadd.s32 $0x80, s22;
	s7 =	smul.u32 $0x1020, s5;
	s3 =	sxor.u32 $0x40, s6  }
0x67: {  	s2 =	sshll.u32 s2, $0x2;
	s9 =	smul.u32 $0x204, s3;
	s0 =	sshrl.u32 s0, $0x2  }
.Ltmp4:
0x68: {  	s1 =	sshrl.u32 s1, $0x2;
	s7 =	sshrl.u32 s7, $0x2;
	(pc) =	sbr.rel @!p2 .LBB1_5-.Ltmp4, $4  }
0x69: {  	s6 =	sadd.s32 s0, s23;
	s5 =	sadd.s32 s1, s23;
	s9 =	sshrl.u32 s9, $0x2  }
0x6a: {  	s1 =	sadd.s32 s7, s23;
	s0 =	sshrl.u32 s2, $0x2;
	s7 =	sadd.s32 s9, s23  }
0x6b: {  	p1 =	por $0x0, $0x0;
	s4 =	sshrl.u32 s4, $0x2;
	s30 =	sadd.s32 s0, s7  }
0x6c: {  	s31 =	sadd.s32 s4, s23;
	s2 =	sadd.s32 $0xFFFFFFFF, s21;
	s4 =	sadd.s32 s0, s5;
	[tilespmem:s30+$0x0 ss:$0x81] =	vst.msk $0xffff, v4  }
0x6d: {  	v4 =	vld [tilespmem:s22+$0x20];
	p2 =	sne.s32 s2, $0x1  }
.Ltmp5:
0x6e: {  	[tilespmem:s4+$0x0 ss:$0x81] =	vst.msk $0xffff, v1;
	s3 =	sadd.s32 s0, s31;
	v1 =	vld [tilespmem:s22+$0xFFFFFFF0];
	(pc) =	sbr.rel @!p2 .LBB1_7-.Ltmp5, $4  }
0x6f: {  	s2 =	sadd.s32 $0xFFFFFFFF, s2;
	s9 =	sadd.s32 s0, s1;
	s30 =	sadd.s32 s0, s6;
	[tilespmem:s3+$0x0 ss:$0x81] =	vst.msk $0xffff, v2;
	v2 =	vld [tilespmem:s22+$0x0]  }
0x70: {  	s5 =	sadd.s32 $0x4080, s5;
	s31 =	sadd.s32 $0x4080, s31;
	[tilespmem:s9+$0x0 ss:$0x81] =	vst.msk $0xffff, v0;
	s9 =	sadd.s32 $0x4080, s7;
	v0 =	vld [tilespmem:s22+$0x10]  }
0x71: {  	s1 =	sadd.s32 $0x4080, s1;
	p1 =	por $0x1, $0x1;
	[tilespmem:s30+$0x0 ss:$0x81] =	vst.msk $0xffff, v3;
	v3 =	vld [tilespmem:s22+$0xFFFFFFE0];
	s7 =	sadd.s32 s0, s9  }
0x72: {  	s4 =	sadd.s32 s0, s5;
	s30 =	smov.u32 s6;
	[tilespmem:s7+$0x0 ss:$0x81] =	vst.msk $0xffff, v4;
	s7 =	sadd.s32 $0x80, s22  }
.LBB1_8:
0x73: {  	v4 =	vld [tilespmem:s7+$0x20];
	p2 =	sne.s32 s2, $0x1;
	s2 =	sadd.s32 $0xFFFFFFFF, s2;
	[tilespmem:s4+$0x0 ss:$0x81] =	vst.msk $0xffff, v1;
	s4 =	sadd.s32 s0, s31  }
.Ltmp6:
0x74: {  	s30 =	sadd.s32 $0x4080, s30;
	v1 =	vld [tilespmem:s7+$0xFFFFFFF0];
	[tilespmem:s4+$0x0 ss:$0x81] =	vst.msk $0xffff, v2;
	s4 =	sadd.s32 s0, s1;
	(pc) =	sbr.rel @p2 .LBB1_8-.Ltmp6, $4  }
0x75: {  	s3 =	sadd.s32 s0, s30;
	v2 =	vld [tilespmem:s7+$0x0];
	[tilespmem:s4+$0x0 ss:$0x81] =	vst.msk $0xffff, v0  }
0x76: {  	s9 =	sadd.s32 $0x4080, s9;
	v0 =	vld [tilespmem:s7+$0x10];
	[tilespmem:s3+$0x0 ss:$0x81] =	vst.msk $0xffff, v3  }
0x77: {  	s5 =	sadd.s32 $0x4080, s5;
	s31 =	sadd.s32 $0x4080, s31;
	s3 =	sadd.s32 s0, s9;
	v3 =	vld [tilespmem:s7+$0xFFFFFFE0]  }
0x78: {  	s1 =	sadd.s32 $0x4080, s1;
	s4 =	sadd.s32 s0, s5;
	s7 =	sadd.s32 $0x80, s7;
	[tilespmem:s3+$0x0 ss:$0x81] =	vst.msk $0xffff, v4  }
.LBB1_9:
0x79: {  	s2 =	sadd.s32 @p1 $0x4080, s30;
	s29 =	sadd.s32 $0x1, s29  }
0x7a: {  	s6 =	smov.u32 @p1 s2;
	p1 =	sne.s32 s29, s20  }
.Ltmp7:
0x7b: {  	_ = 	snop;
	(pc) =	sbr.rel @p1 .LBB1_4-.Ltmp7, $4  }
.Ltmp8:
0x7c: {  	[tilespmem:s4+$0x0 ss:$0x81] =	vst.msk $0xffff, v1;
	s3 =	sadd.s32 s0, s31;
	(pc) =	sbr.rel @!p1 .LBB1_10-.Ltmp8, $4  }
0x7d: {  	s1 =	sadd.s32 s0, s1;
	[tilespmem:s3+$0x0 ss:$0x81] =	vst.msk $0xffff, v2  }
0x7e: {  	s28 =	sadd.s32 $0x1, s28;
	s24 =	sadd.s32 $0x8, s24;
	s31 =	sadd.s32 s0, s6;
	[tilespmem:s1+$0x0 ss:$0x81] =	vst.msk $0xffff, v0  }
0x7f: {  	s25 =	sadd.s32 $0x8, s25;
	s26 =	sadd.s32 $0x8, s26;
	s27 =	sadd.s32 $0x8, s27;
	[tilespmem:s31+$0x0 ss:$0x81] =	vst.msk $0xffff, v3  }
0x80: {  	_ = 	snop  }
.LBB1_5:
.Ltmp9:
0x81: {  	(pc) =	sbr.rel .LBB1_9-.Ltmp9, $2  }
0x82: {  	_ =	sdelay $0x2  }
0x83: {  	s30 =	smov.u32 s6  }
.LBB1_7:
.Ltmp10:
0x84: {  	(pc) =	sbr.rel .LBB1_9-.Ltmp10, $2  }
0x85: {  	_ =	sdelay $0x2  }
0x86: {  	s30 =	smov.u32 s6  }
.LBB1_12:
0x87: {  	_ =	sfence.sel $0x180000  }
0x88: {  	s0 =	simm.s32 $0x1;
	[bflag:$0x0] =	sbarrier.arrive $0xFFFF  }
0x89: {  	s30 =	simm.s32 $0x2;
	[sflag:s0] =	ssyncpa.u1 $0x1  }
0x8a: {  	[sflag:s30] =	ssyncpa.u1 $0x1  }
0x8b: {  	_ =	strace $0x90000047  }
0x8c: {  	s31 =	stileid.u32;
	[bflag:$0x2] =	sbarrier.arrive $0xFFFF  }
0x8d: {  	p0 =	sne.s32 s31, $0x0;
	s0 =	rddreg [dreg:$0x2]  }
0x8e: {  	s0 =	sadd.s32 @!p0 $0x100000, s0  }
0x8f: {  	[sflag:s0] =	ssyncadd.tile.s32 @!p0 $0x1;
	_ =	shalt  }
.Lfunc_end1:
_tile_overlayer_lowered:
.L_overlay_start_2:
0x90: {  	(tag) =	ssettag $0x2  }
0x91: {  	s0 =	rddreg [dreg:$0x0];
	s2 =	stileid.u32  }
0x92: {  	s1 =	rddreg [dreg:$0x1];
	p0 =	sne.s32 s2, $0x0  }
0x93: {  	s3 =	rddreg [dreg:$0x2];
	[bflag:$0x3] =	sbarrier.arrive $0xFFFF;
	s2 =	simm.s32 @!p0 $0x1C01  }
0x94: {  	[timem:s3], [sflag:s2] =	dma.local @!p0 [hbm:s0], s1  }
0x95: {  	s0 =	simm.s32 @!p0 $0x1  }
0x96: {  	_ =	swait.ge @!p0 [sflag:s0], s1  }
0x97: {  	s1 =	ssub.s32 @!p0 $0x0, s1;
	[sflag:s0] =	ssyncset.done @!p0 $0x0  }
0x98: {  	[sflag:s0] =	ssyncadd.s32 @!p0 s1  }
0x99: {  	[bflag:$0x3] =	sbarrier.arrive $0xFFFF  }
0x9a: {  	_ =	shalt  }

</sc_bundles>
